<compile_context>
chip_gen: v7x
topology: tpu7x:2x2x1
jax: 0.10.2.dev20260603
libtpu: 0.0.44.dev20260713+nightly
codegen_flags: <defaults>
</compile_context>

<pallas_src>
import functools

import jax
import jax.numpy as jnp
from jax import lax
from jax.experimental import pallas as pl
from jax.experimental.pallas import tpu as pltpu
from jax.experimental.pallas import tpu_sc as plsc

NC = 2
NS = 16
NW = NC * NS
K = 128
U = 8
NHALF = 2

T0, T1, T2 = 0.6, -0.4, 0.2


def _degree_sc(src3, zeros_vec, ones_vec, r_pad):
    nb = src3.shape[1]
    rows_per = r_pad // NS
    mesh = plsc.VectorSubcoreMesh(core_axis_name="c", subcore_axis_name="s")

    @functools.partial(
        pl.kernel,
        out_type=jax.ShapeDtypeStruct((NC * r_pad,), jnp.float32),
        mesh=mesh,
        scratch_types=[
            pltpu.VMEM((nb, K), jnp.int32),
            pltpu.VMEM((K,), jnp.float32),
            pltpu.VMEM_SHARED((r_pad,), jnp.float32),
        ],
    )
    def deg_kernel(src_hbm, z_hbm, ones_hbm, out_hbm, src_v, ones_v, acc):
        c = lax.axis_index("c")
        s = lax.axis_index("s")
        wid = c * NS + s
        base = s * rows_per
        pltpu.sync_copy(src_hbm.at[wid], src_v)
        pltpu.sync_copy(ones_hbm, ones_v)
        pltpu.sync_copy(z_hbm.at[pl.ds(base, rows_per)], acc.at[pl.ds(base, rows_per)])
        plsc.subcore_barrier()

        def body(j, carry):
            pltpu.sync_copy(ones_v, acc.at[src_v.at[j]], add=True)
            return carry

        lax.fori_loop(0, nb, body, 0)
        plsc.subcore_barrier()
        pltpu.sync_copy(acc.at[pl.ds(base, rows_per)],
                        out_hbm.at[pl.ds(c * r_pad + base, rows_per)])

    return deg_kernel(src3, zeros_vec, ones_vec)


def _segsum_sc(h, src_f, dst_f, zeros_rows, r_pad, nb0, nb1):
    d = h.shape[1]
    rows_per = r_pad // NS
    nh0, nh1 = nb0 // NHALF, nb1 // NHALF
    nc0, nc1 = nh0 // U, nh1 // U
    mesh = plsc.VectorSubcoreMesh(core_axis_name="c", subcore_axis_name="s")

    @functools.partial(
        pl.kernel,
        out_type=jax.ShapeDtypeStruct((NC, r_pad, d), jnp.float32),
        mesh=mesh,
        scratch_types=[
            pltpu.VMEM((nh0, K), jnp.int32),
            pltpu.VMEM((nh0, K), jnp.int32),
            pltpu.VMEM((K, d), jnp.float32),
            pltpu.VMEM_SHARED((r_pad, d), jnp.float32),
            pltpu.SemaphoreType.DMA,
        ],
    )
    def seg_kernel(h_hbm, src_hbm, dst_hbm, z_hbm, out_hbm,
                   src_v, dst_v, rows_v, acc, gsem):
        c = lax.axis_index("c")
        s = lax.axis_index("s")
        base = s * rows_per
        pltpu.sync_copy(z_hbm.at[pl.ds(base, rows_per)], acc.at[pl.ds(base, rows_per)])
        plsc.subcore_barrier()

        nbatch = jnp.where(c == 0, nh0, nh1)
        tile_start = jnp.where(c == 0, s * nb0, NS * nb0 + s * nb1)
        half_sz = jnp.where(c == 0, nh0, nh1)

        for half in range(NHALF):
            hstart = tile_start + half * half_sz
            pltpu.sync_copy(src_hbm.at[pl.ds(hstart, nh0)], src_v)
            pltpu.sync_copy(dst_hbm.at[pl.ds(hstart, nh0)], dst_v)

            def body(j, carry):
                pltpu.async_copy(h_hbm.at[src_v.at[j]], rows_v, gsem).wait()
                pltpu.sync_copy(rows_v, acc.at[dst_v.at[j]], add=True)
                return carry

            lax.fori_loop(0, nbatch, body, 0)

        plsc.subcore_barrier()
        pltpu.sync_copy(acc.at[pl.ds(base, rows_per)], out_hbm.at[c, pl.ds(base, rows_per)])

    return seg_kernel(h, src_f, dst_f, zeros_rows)


def _dinv_tc(deg_parts):
    def body(deg_ref, out_ref):
        deg = deg_ref[0:1, :] + deg_ref[1:2, :]
        out_ref[...] = lax.rsqrt(jnp.maximum(deg, 1.0))

    return pl.pallas_call(
        body,
        out_shape=jax.ShapeDtypeStruct((1, deg_parts.shape[1]), jnp.float32),
    )(deg_parts)


def _scale_tc(feat, dinv_col):
    r_pad, d = feat.shape
    rb = r_pad // NS

    def body(f_ref, w_ref, o_ref):
        o_ref[...] = f_ref[...] * w_ref[...]

    return pl.pallas_call(
        body,
        grid=(NS,),
        in_specs=[
            pl.BlockSpec((rb, d), lambda i: (i, 0)),
            pl.BlockSpec((rb, 1), lambda i: (i, 0)),
        ],
        out_specs=pl.BlockSpec((rb, d), lambda i: (i, 0)),
        out_shape=jax.ShapeDtypeStruct((r_pad, d), jnp.float32),
    )(feat, dinv_col)


def _combine_tc(feat, agg_parts, dinv_col):
    r_pad, d = feat.shape
    rb = r_pad // NS

    def body(f_ref, a_ref, w_ref, f1_ref, h2_ref):
        a = a_ref[...]
        w = w_ref[...]
        f1 = f_ref[...] - (a[0] + a[1]) * w
        f1_ref[...] = f1
        h2_ref[...] = f1 * w

    return pl.pallas_call(
        body,
        grid=(NS,),
        in_specs=[
            pl.BlockSpec((rb, d), lambda i: (i, 0)),
            pl.BlockSpec((NC, rb, d), lambda i: (0, i, 0)),
            pl.BlockSpec((rb, 1), lambda i: (i, 0)),
        ],
        out_specs=[
            pl.BlockSpec((rb, d), lambda i: (i, 0)),
            pl.BlockSpec((rb, d), lambda i: (i, 0)),
        ],
        out_shape=[
            jax.ShapeDtypeStruct((r_pad, d), jnp.float32),
            jax.ShapeDtypeStruct((r_pad, d), jnp.float32),
        ],
    )(feat, agg_parts, dinv_col)


def _final_tc(feat, f1, agg_parts, dinv_col):
    r_pad, d = feat.shape
    rb = r_pad // NS

    def body(f_ref, f1_ref, a_ref, w_ref, o_ref):
        a = a_ref[...]
        o_ref[...] = (T0 * f_ref[...] + (T1 + T2) * f1_ref[...]
                      - T2 * (a[0] + a[1]) * w_ref[...])

    return pl.pallas_call(
        body,
        grid=(NS,),
        in_specs=[
            pl.BlockSpec((rb, d), lambda i: (i, 0)),
            pl.BlockSpec((rb, d), lambda i: (i, 0)),
            pl.BlockSpec((NC, rb, d), lambda i: (0, i, 0)),
            pl.BlockSpec((rb, 1), lambda i: (i, 0)),
        ],
        out_specs=pl.BlockSpec((rb, d), lambda i: (i, 0)),
        out_shape=jax.ShapeDtypeStruct((r_pad, d), jnp.float32),
    )(feat, f1, agg_parts, dinv_col)


def kernel(feat, edge_index):
    n, d = feat.shape
    e = edge_index.shape[1]
    r_pad = ((n + 16 + 2047) // 2048) * 2048
    r_deg = r_pad
    dummy = n

    src = edge_index[0]
    dst = edge_index[1]

    nbd = -(-e // (NW * K))
    pad_d = jnp.full((NW * nbd * K - e,), dummy, jnp.int32)
    src_deg = jnp.concatenate([src, pad_d]).reshape(NW, nbd, K)

    align = NHALF * U * 2
    nbp = -(-e // (NS * K))
    nbp = -(-nbp // align) * align
    nb0 = int(round(nbp * 0.7 / align)) * align
    nb1 = nbp - nb0
    totb = NS * (nb0 + nb1)
    totb_alloc = totb + (nb0 - nb1) // NHALF
    pad_s = jnp.full((totb_alloc * K - e,), dummy, jnp.int32)
    src_f = jnp.concatenate([src, pad_s]).reshape(totb_alloc, K)
    dst_f = jnp.concatenate([dst, pad_s]).reshape(totb_alloc, K)

    feat_p = jnp.zeros((r_pad, d), feat.dtype).at[:n].set(feat)
    zeros_rows = jnp.zeros((r_pad, d), jnp.float32)
    zeros_vec = jnp.zeros((r_deg,), jnp.float32)
    ones_vec = jnp.ones((K,), jnp.float32)

    deg_parts = jnp.reshape(
        _degree_sc(src_deg, zeros_vec, ones_vec, r_deg), (NC, r_deg))[:, :r_pad]
    dinv_col = jnp.reshape(_dinv_tc(deg_parts), (r_pad, 1))
    h1 = _scale_tc(feat_p, dinv_col)
    agg1 = _segsum_sc(h1, src_f, dst_f, zeros_rows, r_pad, nb0, nb1)
    f1, h2 = _combine_tc(feat_p, agg1, dinv_col)
    agg2 = _segsum_sc(h2, src_f, dst_f, zeros_rows, r_pad, nb0, nb1)
    out = _final_tc(feat_p, f1, agg2, dinv_col)
    return out[:n]

# --- scband reference (transcript-rebuilt; emitter-appended) ---
"""Pipeline reference for scband-poly-conv-4544075399684 (READ-ONLY COPY).

The authoritative reference and input builder live on the scoring server;
editing this copy changes nothing except your own understanding.
"""

import jax, jax.numpy as jnp
import numpy as np

N_NODES = 10000
N_EDGES = 320000
D_FEAT = 128
THETA = jnp.array([0.6, -0.4, 0.2], dtype=jnp.float32)


def setup_inputs(seed: int = 0) -> dict:
    key = jax.random.key(seed)
    k1, k2 = jax.random.split(key)
    feat = jax.random.normal(k1, (N_NODES, D_FEAT), dtype=jnp.float32)
    edge_index = jax.random.randint(k2, (2, N_EDGES), 0, N_NODES, dtype=jnp.int32)
    return {"feat": feat, "edge_index": edge_index}


def reference(feat, edge_index):
    src = edge_index[0]
    dst = edge_index[1]
    # out_degrees of each node (number of edges with that node as source)
    deg = jnp.zeros((N_NODES,), dtype=feat.dtype).at[src].add(1.0)
    d_invsqrt = jnp.power(jnp.clip(deg, 1.0), -0.5)[:, None]

    def unn_laplacian(f):
        h = f * d_invsqrt
        # copy_u -> sum aggregation: agg[dst] += h[src]
        agg = jax.ops.segment_sum(h[src], dst, num_segments=N_NODES)
        return f - agg * d_invsqrt

    out = THETA[0] * feat
    f = feat
    for k in range(1, THETA.shape[0]):
        f = unn_laplacian(f)
        out = out + THETA[k] * f
    return out

if __name__ == "__main__":
    import jax
    _d = setup_inputs()
    print(jax.jit(kernel)(*tuple(_d.values())))

</pallas_src>

<mosaic_0001>
#map = affine_map<(d0, d1) -> (0, 0, 0)>
#map1 = affine_map<(d0, d1) -> (0)>
module attributes {stable_mosaic.version = 14 : i64} {
  func.func @deg_kernel(%arg0: i32, %arg1: i32, %arg2: memref<32x79x128xi32, #tpu.memory_space<hbm>>, %arg3: memref<10240xf32, #tpu.memory_space<hbm>>, %arg4: memref<128xf32, #tpu.memory_space<hbm>>, %arg5: memref<20480xf32, #tpu.memory_space<hbm>>, %arg6: memref<79x128xi32, #tpu.memory_space<vmem>>, %arg7: memref<128xf32, #tpu.memory_space<vmem>>, %arg8: memref<10240xf32, #tpu.memory_space<vmem_shared>>) attributes {dimension_semantics = [#tpu.dimension_semantics<core_parallel>, #tpu.dimension_semantics<subcore_parallel>], iteration_bounds = array<i64: 2, 16>, scalar_prefetch = 0 : i64, scratch_operands = 3 : i64, tpu.core_type = #tpu.core_type<sc_vector_subcore>, window_params = [{transform_indices = #map}, {transform_indices = #map1}, {transform_indices = #map1}, {transform_indices = #map1}]} {
    %mul3A = arith.constant 16 : i32
    %mul3A_0 = arith.muli %arg0, %mul3A : i32
    %add3A = arith.addi %mul3A_0, %arg1 : i32
    %mul3A_1 = arith.constant 640 : i32
    %mul3A_2 = arith.muli %arg1, %mul3A_1 : i32
    "tpu.region"() ({
      %run_scoped3A = tpu.sem_alloc : memref<!tpu.dma_semaphore, #tpu.memory_space<semaphore_mem>>
      %dma_start3A = arith.constant 0 : i32
      %dma_start3A_12 = arith.constant 0 : i32
      %dma_start3A_13 = tpu.memref_slice %arg2[%add3A, %dma_start3A, %dma_start3A_12] : memref<32x79x128xi32, #tpu.memory_space<hbm>> -> memref<1x79x128xi32, #tpu.memory_space<hbm>>
      %dma_start3A_14 = tpu.memref_squeeze %dma_start3A_13 : memref<1x79x128xi32, #tpu.memory_space<hbm>> -> memref<79x128xi32, #tpu.memory_space<hbm>>
      %dma_start3A_15 = arith.constant 0 : i32
      %dma_start3A_16 = arith.constant 0 : i32
      %dma_start3A_17 = tpu.memref_slice %arg2[%add3A, %dma_start3A_15, %dma_start3A_16] : memref<32x79x128xi32, #tpu.memory_space<hbm>> -> memref<1x79x128xi32, #tpu.memory_space<hbm>>
      %dma_start3A_18 = tpu.memref_squeeze %dma_start3A_17 : memref<1x79x128xi32, #tpu.memory_space<hbm>> -> memref<79x128xi32, #tpu.memory_space<hbm>>
      tpu.enqueue_dma source(%dma_start3A_18 : memref<79x128xi32, #tpu.memory_space<hbm>>) target(%arg6 : memref<79x128xi32, #tpu.memory_space<vmem>>) target_semaphore(%run_scoped3A : memref<!tpu.dma_semaphore, #tpu.memory_space<semaphore_mem>>)
      %dma_wait3A = arith.constant 0 : i32
      %dma_wait3A_19 = arith.constant 0 : i32
      %dma_wait3A_20 = tpu.memref_slice %arg2[%add3A, %dma_wait3A, %dma_wait3A_19] : memref<32x79x128xi32, #tpu.memory_space<hbm>> -> memref<1x79x128xi32, #tpu.memory_space<hbm>>
      %dma_wait3A_21 = tpu.memref_squeeze %dma_wait3A_20 : memref<1x79x128xi32, #tpu.memory_space<hbm>> -> memref<79x128xi32, #tpu.memory_space<hbm>>
      %dma_wait3A_22 = arith.constant 0 : i32
      %dma_wait3A_23 = arith.constant 0 : i32
      %dma_wait3A_24 = tpu.memref_slice %arg2[%add3A, %dma_wait3A_22, %dma_wait3A_23] : memref<32x79x128xi32, #tpu.memory_space<hbm>> -> memref<1x79x128xi32, #tpu.memory_space<hbm>>
      %dma_wait3A_25 = tpu.memref_squeeze %dma_wait3A_24 : memref<1x79x128xi32, #tpu.memory_space<hbm>> -> memref<79x128xi32, #tpu.memory_space<hbm>>
      tpu.wait_dma2 semaphore(%run_scoped3A : memref<!tpu.dma_semaphore, #tpu.memory_space<semaphore_mem>>) src(%dma_wait3A_25 : memref<79x128xi32, #tpu.memory_space<hbm>>) dst(%arg6 : memref<79x128xi32, #tpu.memory_space<vmem>>)
      tpu.yield
    }) : () -> ()
    "tpu.region"() ({
      %run_scoped3A = tpu.sem_alloc : memref<!tpu.dma_semaphore, #tpu.memory_space<semaphore_mem>>
      tpu.enqueue_dma source(%arg4 : memref<128xf32, #tpu.memory_space<hbm>>) target(%arg7 : memref<128xf32, #tpu.memory_space<vmem>>) target_semaphore(%run_scoped3A : memref<!tpu.dma_semaphore, #tpu.memory_space<semaphore_mem>>)
      tpu.wait_dma2 semaphore(%run_scoped3A : memref<!tpu.dma_semaphore, #tpu.memory_space<semaphore_mem>>) src(%arg4 : memref<128xf32, #tpu.memory_space<hbm>>) dst(%arg7 : memref<128xf32, #tpu.memory_space<vmem>>)
      tpu.yield
    }) : () -> ()
    "tpu.region"() ({
      %run_scoped3A = tpu.sem_alloc : memref<!tpu.dma_semaphore, #tpu.memory_space<semaphore_mem>>
      %dma_start3A = tpu.memref_slice %arg8[%mul3A_2] : memref<10240xf32, #tpu.memory_space<vmem_shared>> -> memref<640xf32, #tpu.memory_space<vmem_shared>>
      %dma_start3A_12 = tpu.memref_slice %arg3[%mul3A_2] : memref<10240xf32, #tpu.memory_space<hbm>> -> memref<640xf32, #tpu.memory_space<hbm>>
      tpu.enqueue_dma source(%dma_start3A_12 : memref<640xf32, #tpu.memory_space<hbm>>) target(%dma_start3A : memref<640xf32, #tpu.memory_space<vmem_shared>>) target_semaphore(%run_scoped3A : memref<!tpu.dma_semaphore, #tpu.memory_space<semaphore_mem>>)
      %dma_wait3A = tpu.memref_slice %arg8[%mul3A_2] : memref<10240xf32, #tpu.memory_space<vmem_shared>> -> memref<640xf32, #tpu.memory_space<vmem_shared>>
      %dma_wait3A_13 = tpu.memref_slice %arg3[%mul3A_2] : memref<10240xf32, #tpu.memory_space<hbm>> -> memref<640xf32, #tpu.memory_space<hbm>>
      tpu.wait_dma2 semaphore(%run_scoped3A : memref<!tpu.dma_semaphore, #tpu.memory_space<semaphore_mem>>) src(%dma_wait3A_13 : memref<640xf32, #tpu.memory_space<hbm>>) dst(%dma_wait3A : memref<640xf32, #tpu.memory_space<vmem_shared>>)
      tpu.yield
    }) : () -> ()
    %barrier3A = arith.constant 0 : index
    tpu.barrier barrier_id(%barrier3A)
    %scan3A = arith.constant 0 : i32
    %scan3A_3 = arith.constant 0 : i32
    %scan3A_4 = arith.constant 79 : i32
    %scan3A_5 = arith.addi %scan3A_3, %scan3A_4 : i32
    %scan3A_6 = arith.constant 1 : i32
    scf.for %scan3A_12 = %scan3A_3 to %scan3A_5 step %scan3A_6  : i32 {
      "tpu.region"() ({
        %run_scoped3A = tpu.sem_alloc : memref<!tpu.dma_semaphore, #tpu.memory_space<semaphore_mem>>
        %dma_start3A = arith.constant 0 : i32
        %dma_start3A_13 = tpu.memref_slice %arg6[%scan3A_12, %dma_start3A] : memref<79x128xi32, #tpu.memory_space<vmem>> -> memref<1x128xi32, #tpu.memory_space<vmem>>
        %dma_start3A_14 = tpu.memref_squeeze %dma_start3A_13 : memref<1x128xi32, #tpu.memory_space<vmem>> -> memref<128xi32, #tpu.memory_space<vmem>>
        %dma_start3A_15 = arith.constant 0 : i32
        %dma_start3A_16 = tpu.memref_slice %arg8[%dma_start3A_15] : memref<10240xf32, #tpu.memory_space<vmem_shared>> -> memref<10240xf32, #tpu.memory_space<vmem_shared>>
        tpu.enqueue_indirect_dma source(%arg7 : memref<128xf32, #tpu.memory_space<vmem>>) target(%dma_start3A_16 : memref<10240xf32, #tpu.memory_space<vmem_shared>>) offsets(%dma_start3A_14 : memref<128xi32, #tpu.memory_space<vmem>>) semaphore(%run_scoped3A : memref<!tpu.dma_semaphore, #tpu.memory_space<semaphore_mem>>) {add = true}
        %dma_wait3A = arith.constant 0 : i32
        %dma_wait3A_17 = tpu.memref_slice %arg6[%scan3A_12, %dma_wait3A] : memref<79x128xi32, #tpu.memory_space<vmem>> -> memref<1x128xi32, #tpu.memory_space<vmem>>
        %dma_wait3A_18 = tpu.memref_squeeze %dma_wait3A_17 : memref<1x128xi32, #tpu.memory_space<vmem>> -> memref<128xi32, #tpu.memory_space<vmem>>
        %dma_wait3A_19 = arith.constant 0 : i32
        %dma_wait3A_20 = tpu.memref_slice %arg8[%dma_wait3A_19] : memref<10240xf32, #tpu.memory_space<vmem_shared>> -> memref<10240xf32, #tpu.memory_space<vmem_shared>>
        tpu.wait_indirect_dma semaphore(%run_scoped3A : memref<!tpu.dma_semaphore, #tpu.memory_space<semaphore_mem>>) src(%arg7 : memref<128xf32, #tpu.memory_space<vmem>>) dst(%dma_wait3A_20 : memref<10240xf32, #tpu.memory_space<vmem_shared>>)
        tpu.yield
      }) : () -> ()
    }
    %scan3A_7 = arith.constant 79 : i32
    %barrier3A_8 = arith.constant 0 : index
    tpu.barrier barrier_id(%barrier3A_8)
    %mul3A_9 = arith.constant 10240 : i32
    %mul3A_10 = arith.muli %arg0, %mul3A_9 : i32
    %add3A_11 = arith.addi %mul3A_10, %mul3A_2 : i32
    "tpu.region"() ({
      %run_scoped3A = tpu.sem_alloc : memref<!tpu.dma_semaphore, #tpu.memory_space<semaphore_mem>>
      %dma_start3A = tpu.memref_slice %arg5[%add3A_11] : memref<20480xf32, #tpu.memory_space<hbm>> -> memref<640xf32, #tpu.memory_space<hbm>>
      %dma_start3A_12 = tpu.memref_slice %arg8[%mul3A_2] : memref<10240xf32, #tpu.memory_space<vmem_shared>> -> memref<640xf32, #tpu.memory_space<vmem_shared>>
      tpu.enqueue_dma source(%dma_start3A_12 : memref<640xf32, #tpu.memory_space<vmem_shared>>) target(%dma_start3A : memref<640xf32, #tpu.memory_space<hbm>>) target_semaphore(%run_scoped3A : memref<!tpu.dma_semaphore, #tpu.memory_space<semaphore_mem>>)
      %dma_wait3A = tpu.memref_slice %arg5[%add3A_11] : memref<20480xf32, #tpu.memory_space<hbm>> -> memref<640xf32, #tpu.memory_space<hbm>>
      %dma_wait3A_13 = tpu.memref_slice %arg8[%mul3A_2] : memref<10240xf32, #tpu.memory_space<vmem_shared>> -> memref<640xf32, #tpu.memory_space<vmem_shared>>
      tpu.wait_dma2 semaphore(%run_scoped3A : memref<!tpu.dma_semaphore, #tpu.memory_space<semaphore_mem>>) src(%dma_wait3A_13 : memref<640xf32, #tpu.memory_space<vmem_shared>>) dst(%dma_wait3A : memref<640xf32, #tpu.memory_space<hbm>>)
      tpu.yield
    }) : () -> ()
    return
  }
}

#map = affine_map<(d0, d1) -> (0, 0)>
#map1 = affine_map<(d0, d1) -> (0, 0, 0)>
module attributes {stable_mosaic.version = 14 : i64} {
  func.func @seg_kernel(%arg0: i32, %arg1: i32, %arg2: memref<10240x128xf32, #tpu.memory_space<hbm>>, %arg3: memref<2608x128xi32, #tpu.memory_space<hbm>>, %arg4: memref<2608x128xi32, #tpu.memory_space<hbm>>, %arg5: memref<10240x128xf32, #tpu.memory_space<hbm>>, %arg6: memref<2x10240x128xf32, #tpu.memory_space<hbm>>, %arg7: memref<64x128xi32, #tpu.memory_space<vmem>>, %arg8: memref<64x128xi32, #tpu.memory_space<vmem>>, %arg9: memref<128x128xf32, #tpu.memory_space<vmem>>, %arg10: memref<10240x128xf32, #tpu.memory_space<vmem_shared>>, %arg11: memref<!tpu.dma_semaphore, #tpu.memory_space<semaphore_mem>>) attributes {dimension_semantics = [#tpu.dimension_semantics<core_parallel>, #tpu.dimension_semantics<subcore_parallel>], iteration_bounds = array<i64: 2, 16>, scalar_prefetch = 0 : i64, scratch_operands = 5 : i64, tpu.core_type = #tpu.core_type<sc_vector_subcore>, window_params = [{transform_indices = #map}, {transform_indices = #map}, {transform_indices = #map}, {transform_indices = #map}, {transform_indices = #map1}]} {
    %mul3A = arith.constant 640 : i32
    %mul3A_0 = arith.muli %arg1, %mul3A : i32
    "tpu.region"() ({
      %run_scoped3A = tpu.sem_alloc : memref<!tpu.dma_semaphore, #tpu.memory_space<semaphore_mem>>
      %dma_start3A = arith.constant 0 : i32
      %dma_start3A_42 = tpu.memref_slice %arg10[%mul3A_0, %dma_start3A] : memref<10240x128xf32, #tpu.memory_space<vmem_shared>> -> memref<640x128xf32, #tpu.memory_space<vmem_shared>>
      %dma_start3A_43 = arith.constant 0 : i32
      %dma_start3A_44 = tpu.memref_slice %arg5[%mul3A_0, %dma_start3A_43] : memref<10240x128xf32, #tpu.memory_space<hbm>> -> memref<640x128xf32, #tpu.memory_space<hbm>>
      tpu.enqueue_dma source(%dma_start3A_44 : memref<640x128xf32, #tpu.memory_space<hbm>>) target(%dma_start3A_42 : memref<640x128xf32, #tpu.memory_space<vmem_shared>>) target_semaphore(%run_scoped3A : memref<!tpu.dma_semaphore, #tpu.memory_space<semaphore_mem>>)
      %dma_wait3A = arith.constant 0 : i32
      %dma_wait3A_45 = tpu.memref_slice %arg10[%mul3A_0, %dma_wait3A] : memref<10240x128xf32, #tpu.memory_space<vmem_shared>> -> memref<640x128xf32, #tpu.memory_space<vmem_shared>>
      %dma_wait3A_46 = arith.constant 0 : i32
      %dma_wait3A_47 = tpu.memref_slice %arg5[%mul3A_0, %dma_wait3A_46] : memref<10240x128xf32, #tpu.memory_space<hbm>> -> memref<640x128xf32, #tpu.memory_space<hbm>>
      tpu.wait_dma2 semaphore(%run_scoped3A : memref<!tpu.dma_semaphore, #tpu.memory_space<semaphore_mem>>) src(%dma_wait3A_47 : memref<640x128xf32, #tpu.memory_space<hbm>>) dst(%dma_wait3A_45 : memref<640x128xf32, #tpu.memory_space<vmem_shared>>)
      tpu.yield
    }) : () -> ()
    %barrier3A = arith.constant 0 : index
    tpu.barrier barrier_id(%barrier3A)
    %eq3A = arith.constant 0 : i32
    %eq3A_1 = arith.cmpi eq, %arg0, %eq3A : i32
    %jit3A = arith.constant 64 : i32
    %jit3A_2 = arith.constant 16 : i32
    %select_n3A = arith.select %eq3A_1, %jit3A, %jit3A_2 : i32
    %eq3A_3 = arith.constant 0 : i32
    %eq3A_4 = arith.cmpi eq, %arg0, %eq3A_3 : i32
    %mul3A_5 = arith.constant 128 : i32
    %mul3A_6 = arith.muli %arg1, %mul3A_5 : i32
    %mul3A_7 = arith.constant 32 : i32
    %mul3A_8 = arith.muli %arg1, %mul3A_7 : i32
    %add3A = arith.constant 2048 : i32
    %add3A_9 = arith.addi %add3A, %mul3A_8 : i32
    %select_n3A_10 = arith.select %eq3A_4, %mul3A_6, %add3A_9 : i32
    %eq3A_11 = arith.constant 0 : i32
    %eq3A_12 = arith.cmpi eq, %arg0, %eq3A_11 : i32
    %jit3A_13 = arith.constant 64 : i32
    %jit3A_14 = arith.constant 16 : i32
    %select_n3A_15 = arith.select %eq3A_12, %jit3A_13, %jit3A_14 : i32
    %mul3A_16 = arith.constant 0 : i32
    %mul3A_17 = arith.muli %mul3A_16, %select_n3A_15 : i32
    %add3A_18 = arith.addi %select_n3A_10, %mul3A_17 : i32
    "tpu.region"() ({
      %run_scoped3A = tpu.sem_alloc : memref<!tpu.dma_semaphore, #tpu.memory_space<semaphore_mem>>
      %dma_start3A = arith.constant 0 : i32
      %dma_start3A_42 = tpu.memref_slice %arg3[%add3A_18, %dma_start3A] : memref<2608x128xi32, #tpu.memory_space<hbm>> -> memref<64x128xi32, #tpu.memory_space<hbm>>
      %dma_start3A_43 = arith.constant 0 : i32
      %dma_start3A_44 = tpu.memref_slice %arg3[%add3A_18, %dma_start3A_43] : memref<2608x128xi32, #tpu.memory_space<hbm>> -> memref<64x128xi32, #tpu.memory_space<hbm>>
      tpu.enqueue_dma source(%dma_start3A_44 : memref<64x128xi32, #tpu.memory_space<hbm>>) target(%arg7 : memref<64x128xi32, #tpu.memory_space<vmem>>) target_semaphore(%run_scoped3A : memref<!tpu.dma_semaphore, #tpu.memory_space<semaphore_mem>>)
      %dma_wait3A = arith.constant 0 : i32
      %dma_wait3A_45 = tpu.memref_slice %arg3[%add3A_18, %dma_wait3A] : memref<2608x128xi32, #tpu.memory_space<hbm>> -> memref<64x128xi32, #tpu.memory_space<hbm>>
      %dma_wait3A_46 = arith.constant 0 : i32
      %dma_wait3A_47 = tpu.memref_slice %arg3[%add3A_18, %dma_wait3A_46] : memref<2608x128xi32, #tpu.memory_space<hbm>> -> memref<64x128xi32, #tpu.memory_space<hbm>>
      tpu.wait_dma2 semaphore(%run_scoped3A : memref<!tpu.dma_semaphore, #tpu.memory_space<semaphore_mem>>) src(%dma_wait3A_47 : memref<64x128xi32, #tpu.memory_space<hbm>>) dst(%arg7 : memref<64x128xi32, #tpu.memory_space<vmem>>)
      tpu.yield
    }) : () -> ()
    "tpu.region"() ({
      %run_scoped3A = tpu.sem_alloc : memref<!tpu.dma_semaphore, #tpu.memory_space<semaphore_mem>>
      %dma_start3A = arith.constant 0 : i32
      %dma_start3A_42 = tpu.memref_slice %arg4[%add3A_18, %dma_start3A] : memref<2608x128xi32, #tpu.memory_space<hbm>> -> memref<64x128xi32, #tpu.memory_space<hbm>>
      %dma_start3A_43 = arith.constant 0 : i32
      %dma_start3A_44 = tpu.memref_slice %arg4[%add3A_18, %dma_start3A_43] : memref<2608x128xi32, #tpu.memory_space<hbm>> -> memref<64x128xi32, #tpu.memory_space<hbm>>
      tpu.enqueue_dma source(%dma_start3A_44 : memref<64x128xi32, #tpu.memory_space<hbm>>) target(%arg8 : memref<64x128xi32, #tpu.memory_space<vmem>>) target_semaphore(%run_scoped3A : memref<!tpu.dma_semaphore, #tpu.memory_space<semaphore_mem>>)
      %dma_wait3A = arith.constant 0 : i32
      %dma_wait3A_45 = tpu.memref_slice %arg4[%add3A_18, %dma_wait3A] : memref<2608x128xi32, #tpu.memory_space<hbm>> -> memref<64x128xi32, #tpu.memory_space<hbm>>
      %dma_wait3A_46 = arith.constant 0 : i32
      %dma_wait3A_47 = tpu.memref_slice %arg4[%add3A_18, %dma_wait3A_46] : memref<2608x128xi32, #tpu.memory_space<hbm>> -> memref<64x128xi32, #tpu.memory_space<hbm>>
      tpu.wait_dma2 semaphore(%run_scoped3A : memref<!tpu.dma_semaphore, #tpu.memory_space<semaphore_mem>>) src(%dma_wait3A_47 : memref<64x128xi32, #tpu.memory_space<hbm>>) dst(%arg8 : memref<64x128xi32, #tpu.memory_space<vmem>>)
      tpu.yield
    }) : () -> ()
    %while3A = arith.constant 0 : i32
    %while3A_19 = arith.constant 0 : i32
    %while3A_20 = arith.subi %select_n3A, %while3A_19 : i32
    %while3A_21 = arith.addi %while3A_19, %while3A_20 : i32
    %while3A_22 = arith.constant 1 : i32
    %while3A_23 = arith.divsi %while3A_20, %while3A_22 : i32
    %while3A_24 = arith.muli %while3A_23, %while3A_22 : i32
    %while3A_25 = arith.addi %while3A_19, %while3A_24 : i32
    %while3A_26 = arith.constant 1 : i32
    scf.for %while3A_42 = %while3A_19 to %while3A_25 step %while3A_26  : i32 {
      %dma_start3A = arith.constant 0 : i32
      %dma_start3A_43 = tpu.memref_slice %arg7[%while3A_42, %dma_start3A] : memref<64x128xi32, #tpu.memory_space<vmem>> -> memref<1x128xi32, #tpu.memory_space<vmem>>
      %dma_start3A_44 = tpu.memref_squeeze %dma_start3A_43 : memref<1x128xi32, #tpu.memory_space<vmem>> -> memref<128xi32, #tpu.memory_space<vmem>>
      %dma_start3A_45 = arith.constant 0 : i32
      %dma_start3A_46 = arith.constant 0 : i32
      %dma_start3A_47 = tpu.memref_slice %arg2[%dma_start3A_45, %dma_start3A_46] : memref<10240x128xf32, #tpu.memory_space<hbm>> -> memref<10240x128xf32, #tpu.memory_space<hbm>>
      tpu.enqueue_indirect_dma source(%dma_start3A_47 : memref<10240x128xf32, #tpu.memory_space<hbm>>) target(%arg9 : memref<128x128xf32, #tpu.memory_space<vmem>>) offsets(%dma_start3A_44 : memref<128xi32, #tpu.memory_space<vmem>>) semaphore(%arg11 : memref<!tpu.dma_semaphore, #tpu.memory_space<semaphore_mem>>)
      %dma_wait3A = arith.constant 0 : i32
      %dma_wait3A_48 = tpu.memref_slice %arg7[%while3A_42, %dma_wait3A] : memref<64x128xi32, #tpu.memory_space<vmem>> -> memref<1x128xi32, #tpu.memory_space<vmem>>
      %dma_wait3A_49 = tpu.memref_squeeze %dma_wait3A_48 : memref<1x128xi32, #tpu.memory_space<vmem>> -> memref<128xi32, #tpu.memory_space<vmem>>
      %dma_wait3A_50 = arith.constant 0 : i32
      %dma_wait3A_51 = arith.constant 0 : i32
      %dma_wait3A_52 = tpu.memref_slice %arg2[%dma_wait3A_50, %dma_wait3A_51] : memref<10240x128xf32, #tpu.memory_space<hbm>> -> memref<10240x128xf32, #tpu.memory_space<hbm>>
      tpu.wait_indirect_dma semaphore(%arg11 : memref<!tpu.dma_semaphore, #tpu.memory_space<semaphore_mem>>) src(%dma_wait3A_52 : memref<10240x128xf32, #tpu.memory_space<hbm>>) dst(%arg9 : memref<128x128xf32, #tpu.memory_space<vmem>>)
      "tpu.region"() ({
        %run_scoped3A = tpu.sem_alloc : memref<!tpu.dma_semaphore, #tpu.memory_space<semaphore_mem>>
        %dma_start3A_53 = arith.constant 0 : i32
        %dma_start3A_54 = tpu.memref_slice %arg8[%while3A_42, %dma_start3A_53] : memref<64x128xi32, #tpu.memory_space<vmem>> -> memref<1x128xi32, #tpu.memory_space<vmem>>
        %dma_start3A_55 = tpu.memref_squeeze %dma_start3A_54 : memref<1x128xi32, #tpu.memory_space<vmem>> -> memref<128xi32, #tpu.memory_space<vmem>>
        %dma_start3A_56 = arith.constant 0 : i32
        %dma_start3A_57 = arith.constant 0 : i32
        %dma_start3A_58 = tpu.memref_slice %arg10[%dma_start3A_56, %dma_start3A_57] : memref<10240x128xf32, #tpu.memory_space<vmem_shared>> -> memref<10240x128xf32, #tpu.memory_space<vmem_shared>>
        tpu.enqueue_indirect_dma source(%arg9 : memref<128x128xf32, #tpu.memory_space<vmem>>) target(%dma_start3A_58 : memref<10240x128xf32, #tpu.memory_space<vmem_shared>>) offsets(%dma_start3A_55 : memref<128xi32, #tpu.memory_space<vmem>>) semaphore(%run_scoped3A : memref<!tpu.dma_semaphore, #tpu.memory_space<semaphore_mem>>) {add = true}
        %dma_wait3A_59 = arith.constant 0 : i32
        %dma_wait3A_60 = tpu.memref_slice %arg8[%while3A_42, %dma_wait3A_59] : memref<64x128xi32, #tpu.memory_space<vmem>> -> memref<1x128xi32, #tpu.memory_space<vmem>>
        %dma_wait3A_61 = tpu.memref_squeeze %dma_wait3A_60 : memref<1x128xi32, #tpu.memory_space<vmem>> -> memref<128xi32, #tpu.memory_space<vmem>>
        %dma_wait3A_62 = arith.constant 0 : i32
        %dma_wait3A_63 = arith.constant 0 : i32
        %dma_wait3A_64 = tpu.memref_slice %arg10[%dma_wait3A_62, %dma_wait3A_63] : memref<10240x128xf32, #tpu.memory_space<vmem_shared>> -> memref<10240x128xf32, #tpu.memory_space<vmem_shared>>
        tpu.wait_indirect_dma semaphore(%run_scoped3A : memref<!tpu.dma_semaphore, #tpu.memory_space<semaphore_mem>>) src(%arg9 : memref<128x128xf32, #tpu.memory_space<vmem>>) dst(%dma_wait3A_64 : memref<10240x128xf32, #tpu.memory_space<vmem_shared>>)
        tpu.yield
      }) : () -> ()
    }
    %while3A_27 = arith.constant 1 : i32
    scf.for %while3A_42 = %while3A_25 to %while3A_21 step %while3A_27  : i32 {
      %dma_start3A = arith.constant 0 : i32
      %dma_start3A_43 = tpu.memref_slice %arg7[%while3A_42, %dma_start3A] : memref<64x128xi32, #tpu.memory_space<vmem>> -> memref<1x128xi32, #tpu.memory_space<vmem>>
      %dma_start3A_44 = tpu.memref_squeeze %dma_start3A_43 : memref<1x128xi32, #tpu.memory_space<vmem>> -> memref<128xi32, #tpu.memory_space<vmem>>
      %dma_start3A_45 = arith.constant 0 : i32
      %dma_start3A_46 = arith.constant 0 : i32
      %dma_start3A_47 = tpu.memref_slice %arg2[%dma_start3A_45, %dma_start3A_46] : memref<10240x128xf32, #tpu.memory_space<hbm>> -> memref<10240x128xf32, #tpu.memory_space<hbm>>
      tpu.enqueue_indirect_dma source(%dma_start3A_47 : memref<10240x128xf32, #tpu.memory_space<hbm>>) target(%arg9 : memref<128x128xf32, #tpu.memory_space<vmem>>) offsets(%dma_start3A_44 : memref<128xi32, #tpu.memory_space<vmem>>) semaphore(%arg11 : memref<!tpu.dma_semaphore, #tpu.memory_space<semaphore_mem>>)
      %dma_wait3A = arith.constant 0 : i32
      %dma_wait3A_48 = tpu.memref_slice %arg7[%while3A_42, %dma_wait3A] : memref<64x128xi32, #tpu.memory_space<vmem>> -> memref<1x128xi32, #tpu.memory_space<vmem>>
      %dma_wait3A_49 = tpu.memref_squeeze %dma_wait3A_48 : memref<1x128xi32, #tpu.memory_space<vmem>> -> memref<128xi32, #tpu.memory_space<vmem>>
      %dma_wait3A_50 = arith.constant 0 : i32
      %dma_wait3A_51 = arith.constant 0 : i32
      %dma_wait3A_52 = tpu.memref_slice %arg2[%dma_wait3A_50, %dma_wait3A_51] : memref<10240x128xf32, #tpu.memory_space<hbm>> -> memref<10240x128xf32, #tpu.memory_space<hbm>>
      tpu.wait_indirect_dma semaphore(%arg11 : memref<!tpu.dma_semaphore, #tpu.memory_space<semaphore_mem>>) src(%dma_wait3A_52 : memref<10240x128xf32, #tpu.memory_space<hbm>>) dst(%arg9 : memref<128x128xf32, #tpu.memory_space<vmem>>)
      "tpu.region"() ({
        %run_scoped3A = tpu.sem_alloc : memref<!tpu.dma_semaphore, #tpu.memory_space<semaphore_mem>>
        %dma_start3A_53 = arith.constant 0 : i32
        %dma_start3A_54 = tpu.memref_slice %arg8[%while3A_42, %dma_start3A_53] : memref<64x128xi32, #tpu.memory_space<vmem>> -> memref<1x128xi32, #tpu.memory_space<vmem>>
        %dma_start3A_55 = tpu.memref_squeeze %dma_start3A_54 : memref<1x128xi32, #tpu.memory_space<vmem>> -> memref<128xi32, #tpu.memory_space<vmem>>
        %dma_start3A_56 = arith.constant 0 : i32
        %dma_start3A_57 = arith.constant 0 : i32
        %dma_start3A_58 = tpu.memref_slice %arg10[%dma_start3A_56, %dma_start3A_57] : memref<10240x128xf32, #tpu.memory_space<vmem_shared>> -> memref<10240x128xf32, #tpu.memory_space<vmem_shared>>
        tpu.enqueue_indirect_dma source(%arg9 : memref<128x128xf32, #tpu.memory_space<vmem>>) target(%dma_start3A_58 : memref<10240x128xf32, #tpu.memory_space<vmem_shared>>) offsets(%dma_start3A_55 : memref<128xi32, #tpu.memory_space<vmem>>) semaphore(%run_scoped3A : memref<!tpu.dma_semaphore, #tpu.memory_space<semaphore_mem>>) {add = true}
        %dma_wait3A_59 = arith.constant 0 : i32
        %dma_wait3A_60 = tpu.memref_slice %arg8[%while3A_42, %dma_wait3A_59] : memref<64x128xi32, #tpu.memory_space<vmem>> -> memref<1x128xi32, #tpu.memory_space<vmem>>
        %dma_wait3A_61 = tpu.memref_squeeze %dma_wait3A_60 : memref<1x128xi32, #tpu.memory_space<vmem>> -> memref<128xi32, #tpu.memory_space<vmem>>
        %dma_wait3A_62 = arith.constant 0 : i32
        %dma_wait3A_63 = arith.constant 0 : i32
        %dma_wait3A_64 = tpu.memref_slice %arg10[%dma_wait3A_62, %dma_wait3A_63] : memref<10240x128xf32, #tpu.memory_space<vmem_shared>> -> memref<10240x128xf32, #tpu.memory_space<vmem_shared>>
        tpu.wait_indirect_dma semaphore(%run_scoped3A : memref<!tpu.dma_semaphore, #tpu.memory_space<semaphore_mem>>) src(%arg9 : memref<128x128xf32, #tpu.memory_space<vmem>>) dst(%dma_wait3A_64 : memref<10240x128xf32, #tpu.memory_space<vmem_shared>>)
        tpu.yield
      }) : () -> ()
    }
    %mul3A_28 = arith.constant 1 : i32
    %mul3A_29 = arith.muli %mul3A_28, %select_n3A_15 : i32
    %add3A_30 = arith.addi %select_n3A_10, %mul3A_29 : i32
    "tpu.region"() ({
      %run_scoped3A = tpu.sem_alloc : memref<!tpu.dma_semaphore, #tpu.memory_space<semaphore_mem>>
      %dma_start3A = arith.constant 0 : i32
      %dma_start3A_42 = tpu.memref_slice %arg3[%add3A_30, %dma_start3A] : memref<2608x128xi32, #tpu.memory_space<hbm>> -> memref<64x128xi32, #tpu.memory_space<hbm>>
      %dma_start3A_43 = arith.constant 0 : i32
      %dma_start3A_44 = tpu.memref_slice %arg3[%add3A_30, %dma_start3A_43] : memref<2608x128xi32, #tpu.memory_space<hbm>> -> memref<64x128xi32, #tpu.memory_space<hbm>>
      tpu.enqueue_dma source(%dma_start3A_44 : memref<64x128xi32, #tpu.memory_space<hbm>>) target(%arg7 : memref<64x128xi32, #tpu.memory_space<vmem>>) target_semaphore(%run_scoped3A : memref<!tpu.dma_semaphore, #tpu.memory_space<semaphore_mem>>)
      %dma_wait3A = arith.constant 0 : i32
      %dma_wait3A_45 = tpu.memref_slice %arg3[%add3A_30, %dma_wait3A] : memref<2608x128xi32, #tpu.memory_space<hbm>> -> memref<64x128xi32, #tpu.memory_space<hbm>>
      %dma_wait3A_46 = arith.constant 0 : i32
      %dma_wait3A_47 = tpu.memref_slice %arg3[%add3A_30, %dma_wait3A_46] : memref<2608x128xi32, #tpu.memory_space<hbm>> -> memref<64x128xi32, #tpu.memory_space<hbm>>
      tpu.wait_dma2 semaphore(%run_scoped3A : memref<!tpu.dma_semaphore, #tpu.memory_space<semaphore_mem>>) src(%dma_wait3A_47 : memref<64x128xi32, #tpu.memory_space<hbm>>) dst(%arg7 : memref<64x128xi32, #tpu.memory_space<vmem>>)
      tpu.yield
    }) : () -> ()
    "tpu.region"() ({
      %run_scoped3A = tpu.sem_alloc : memref<!tpu.dma_semaphore, #tpu.memory_space<semaphore_mem>>
      %dma_start3A = arith.constant 0 : i32
      %dma_start3A_42 = tpu.memref_slice %arg4[%add3A_30, %dma_start3A] : memref<2608x128xi32, #tpu.memory_space<hbm>> -> memref<64x128xi32, #tpu.memory_space<hbm>>
      %dma_start3A_43 = arith.constant 0 : i32
      %dma_start3A_44 = tpu.memref_slice %arg4[%add3A_30, %dma_start3A_43] : memref<2608x128xi32, #tpu.memory_space<hbm>> -> memref<64x128xi32, #tpu.memory_space<hbm>>
      tpu.enqueue_dma source(%dma_start3A_44 : memref<64x128xi32, #tpu.memory_space<hbm>>) target(%arg8 : memref<64x128xi32, #tpu.memory_space<vmem>>) target_semaphore(%run_scoped3A : memref<!tpu.dma_semaphore, #tpu.memory_space<semaphore_mem>>)
      %dma_wait3A = arith.constant 0 : i32
      %dma_wait3A_45 = tpu.memref_slice %arg4[%add3A_30, %dma_wait3A] : memref<2608x128xi32, #tpu.memory_space<hbm>> -> memref<64x128xi32, #tpu.memory_space<hbm>>
      %dma_wait3A_46 = arith.constant 0 : i32
      %dma_wait3A_47 = tpu.memref_slice %arg4[%add3A_30, %dma_wait3A_46] : memref<2608x128xi32, #tpu.memory_space<hbm>> -> memref<64x128xi32, #tpu.memory_space<hbm>>
      tpu.wait_dma2 semaphore(%run_scoped3A : memref<!tpu.dma_semaphore, #tpu.memory_space<semaphore_mem>>) src(%dma_wait3A_47 : memref<64x128xi32, #tpu.memory_space<hbm>>) dst(%arg8 : memref<64x128xi32, #tpu.memory_space<vmem>>)
      tpu.yield
    }) : () -> ()
    %while3A_31 = arith.constant 0 : i32
    %while3A_32 = arith.constant 0 : i32
    %while3A_33 = arith.subi %select_n3A, %while3A_32 : i32
    %while3A_34 = arith.addi %while3A_32, %while3A_33 : i32
    %while3A_35 = arith.constant 1 : i32
    %while3A_36 = arith.divsi %while3A_33, %while3A_35 : i32
    %while3A_37 = arith.muli %while3A_36, %while3A_35 : i32
    %while3A_38 = arith.addi %while3A_32, %while3A_37 : i32
    %while3A_39 = arith.constant 1 : i32
    scf.for %while3A_42 = %while3A_32 to %while3A_38 step %while3A_39  : i32 {
      %dma_start3A = arith.constant 0 : i32
      %dma_start3A_43 = tpu.memref_slice %arg7[%while3A_42, %dma_start3A] : memref<64x128xi32, #tpu.memory_space<vmem>> -> memref<1x128xi32, #tpu.memory_space<vmem>>
      %dma_start3A_44 = tpu.memref_squeeze %dma_start3A_43 : memref<1x128xi32, #tpu.memory_space<vmem>> -> memref<128xi32, #tpu.memory_space<vmem>>
      %dma_start3A_45 = arith.constant 0 : i32
      %dma_start3A_46 = arith.constant 0 : i32
      %dma_start3A_47 = tpu.memref_slice %arg2[%dma_start3A_45, %dma_start3A_46] : memref<10240x128xf32, #tpu.memory_space<hbm>> -> memref<10240x128xf32, #tpu.memory_space<hbm>>
      tpu.enqueue_indirect_dma source(%dma_start3A_47 : memref<10240x128xf32, #tpu.memory_space<hbm>>) target(%arg9 : memref<128x128xf32, #tpu.memory_space<vmem>>) offsets(%dma_start3A_44 : memref<128xi32, #tpu.memory_space<vmem>>) semaphore(%arg11 : memref<!tpu.dma_semaphore, #tpu.memory_space<semaphore_mem>>)
      %dma_wait3A = arith.constant 0 : i32
      %dma_wait3A_48 = tpu.memref_slice %arg7[%while3A_42, %dma_wait3A] : memref<64x128xi32, #tpu.memory_space<vmem>> -> memref<1x128xi32, #tpu.memory_space<vmem>>
      %dma_wait3A_49 = tpu.memref_squeeze %dma_wait3A_48 : memref<1x128xi32, #tpu.memory_space<vmem>> -> memref<128xi32, #tpu.memory_space<vmem>>
      %dma_wait3A_50 = arith.constant 0 : i32
      %dma_wait3A_51 = arith.constant 0 : i32
      %dma_wait3A_52 = tpu.memref_slice %arg2[%dma_wait3A_50, %dma_wait3A_51] : memref<10240x128xf32, #tpu.memory_space<hbm>> -> memref<10240x128xf32, #tpu.memory_space<hbm>>
      tpu.wait_indirect_dma semaphore(%arg11 : memref<!tpu.dma_semaphore, #tpu.memory_space<semaphore_mem>>) src(%dma_wait3A_52 : memref<10240x128xf32, #tpu.memory_space<hbm>>) dst(%arg9 : memref<128x128xf32, #tpu.memory_space<vmem>>)
      "tpu.region"() ({
        %run_scoped3A = tpu.sem_alloc : memref<!tpu.dma_semaphore, #tpu.memory_space<semaphore_mem>>
        %dma_start3A_53 = arith.constant 0 : i32
        %dma_start3A_54 = tpu.memref_slice %arg8[%while3A_42, %dma_start3A_53] : memref<64x128xi32, #tpu.memory_space<vmem>> -> memref<1x128xi32, #tpu.memory_space<vmem>>
        %dma_start3A_55 = tpu.memref_squeeze %dma_start3A_54 : memref<1x128xi32, #tpu.memory_space<vmem>> -> memref<128xi32, #tpu.memory_space<vmem>>
        %dma_start3A_56 = arith.constant 0 : i32
        %dma_start3A_57 = arith.constant 0 : i32
        %dma_start3A_58 = tpu.memref_slice %arg10[%dma_start3A_56, %dma_start3A_57] : memref<10240x128xf32, #tpu.memory_space<vmem_shared>> -> memref<10240x128xf32, #tpu.memory_space<vmem_shared>>
        tpu.enqueue_indirect_dma source(%arg9 : memref<128x128xf32, #tpu.memory_space<vmem>>) target(%dma_start3A_58 : memref<10240x128xf32, #tpu.memory_space<vmem_shared>>) offsets(%dma_start3A_55 : memref<128xi32, #tpu.memory_space<vmem>>) semaphore(%run_scoped3A : memref<!tpu.dma_semaphore, #tpu.memory_space<semaphore_mem>>) {add = true}
        %dma_wait3A_59 = arith.constant 0 : i32
        %dma_wait3A_60 = tpu.memref_slice %arg8[%while3A_42, %dma_wait3A_59] : memref<64x128xi32, #tpu.memory_space<vmem>> -> memref<1x128xi32, #tpu.memory_space<vmem>>
        %dma_wait3A_61 = tpu.memref_squeeze %dma_wait3A_60 : memref<1x128xi32, #tpu.memory_space<vmem>> -> memref<128xi32, #tpu.memory_space<vmem>>
        %dma_wait3A_62 = arith.constant 0 : i32
        %dma_wait3A_63 = arith.constant 0 : i32
        %dma_wait3A_64 = tpu.memref_slice %arg10[%dma_wait3A_62, %dma_wait3A_63] : memref<10240x128xf32, #tpu.memory_space<vmem_shared>> -> memref<10240x128xf32, #tpu.memory_space<vmem_shared>>
        tpu.wait_indirect_dma semaphore(%run_scoped3A : memref<!tpu.dma_semaphore, #tpu.memory_space<semaphore_mem>>) src(%arg9 : memref<128x128xf32, #tpu.memory_space<vmem>>) dst(%dma_wait3A_64 : memref<10240x128xf32, #tpu.memory_space<vmem_shared>>)
        tpu.yield
      }) : () -> ()
    }
    %while3A_40 = arith.constant 1 : i32
    scf.for %while3A_42 = %while3A_38 to %while3A_34 step %while3A_40  : i32 {
      %dma_start3A = arith.constant 0 : i32
      %dma_start3A_43 = tpu.memref_slice %arg7[%while3A_42, %dma_start3A] : memref<64x128xi32, #tpu.memory_space<vmem>> -> memref<1x128xi32, #tpu.memory_space<vmem>>
      %dma_start3A_44 = tpu.memref_squeeze %dma_start3A_43 : memref<1x128xi32, #tpu.memory_space<vmem>> -> memref<128xi32, #tpu.memory_space<vmem>>
      %dma_start3A_45 = arith.constant 0 : i32
      %dma_start3A_46 = arith.constant 0 : i32
      %dma_start3A_47 = tpu.memref_slice %arg2[%dma_start3A_45, %dma_start3A_46] : memref<10240x128xf32, #tpu.memory_space<hbm>> -> memref<10240x128xf32, #tpu.memory_space<hbm>>
      tpu.enqueue_indirect_dma source(%dma_start3A_47 : memref<10240x128xf32, #tpu.memory_space<hbm>>) target(%arg9 : memref<128x128xf32, #tpu.memory_space<vmem>>) offsets(%dma_start3A_44 : memref<128xi32, #tpu.memory_space<vmem>>) semaphore(%arg11 : memref<!tpu.dma_semaphore, #tpu.memory_space<semaphore_mem>>)
      %dma_wait3A = arith.constant 0 : i32
      %dma_wait3A_48 = tpu.memref_slice %arg7[%while3A_42, %dma_wait3A] : memref<64x128xi32, #tpu.memory_space<vmem>> -> memref<1x128xi32, #tpu.memory_space<vmem>>
      %dma_wait3A_49 = tpu.memref_squeeze %dma_wait3A_48 : memref<1x128xi32, #tpu.memory_space<vmem>> -> memref<128xi32, #tpu.memory_space<vmem>>
      %dma_wait3A_50 = arith.constant 0 : i32
      %dma_wait3A_51 = arith.constant 0 : i32
      %dma_wait3A_52 = tpu.memref_slice %arg2[%dma_wait3A_50, %dma_wait3A_51] : memref<10240x128xf32, #tpu.memory_space<hbm>> -> memref<10240x128xf32, #tpu.memory_space<hbm>>
      tpu.wait_indirect_dma semaphore(%arg11 : memref<!tpu.dma_semaphore, #tpu.memory_space<semaphore_mem>>) src(%dma_wait3A_52 : memref<10240x128xf32, #tpu.memory_space<hbm>>) dst(%arg9 : memref<128x128xf32, #tpu.memory_space<vmem>>)
      "tpu.region"() ({
        %run_scoped3A = tpu.sem_alloc : memref<!tpu.dma_semaphore, #tpu.memory_space<semaphore_mem>>
        %dma_start3A_53 = arith.constant 0 : i32
        %dma_start3A_54 = tpu.memref_slice %arg8[%while3A_42, %dma_start3A_53] : memref<64x128xi32, #tpu.memory_space<vmem>> -> memref<1x128xi32, #tpu.memory_space<vmem>>
        %dma_start3A_55 = tpu.memref_squeeze %dma_start3A_54 : memref<1x128xi32, #tpu.memory_space<vmem>> -> memref<128xi32, #tpu.memory_space<vmem>>
        %dma_start3A_56 = arith.constant 0 : i32
        %dma_start3A_57 = arith.constant 0 : i32
        %dma_start3A_58 = tpu.memref_slice %arg10[%dma_start3A_56, %dma_start3A_57] : memref<10240x128xf32, #tpu.memory_space<vmem_shared>> -> memref<10240x128xf32, #tpu.memory_space<vmem_shared>>
        tpu.enqueue_indirect_dma source(%arg9 : memref<128x128xf32, #tpu.memory_space<vmem>>) target(%dma_start3A_58 : memref<10240x128xf32, #tpu.memory_space<vmem_shared>>) offsets(%dma_start3A_55 : memref<128xi32, #tpu.memory_space<vmem>>) semaphore(%run_scoped3A : memref<!tpu.dma_semaphore, #tpu.memory_space<semaphore_mem>>) {add = true}
        %dma_wait3A_59 = arith.constant 0 : i32
        %dma_wait3A_60 = tpu.memref_slice %arg8[%while3A_42, %dma_wait3A_59] : memref<64x128xi32, #tpu.memory_space<vmem>> -> memref<1x128xi32, #tpu.memory_space<vmem>>
        %dma_wait3A_61 = tpu.memref_squeeze %dma_wait3A_60 : memref<1x128xi32, #tpu.memory_space<vmem>> -> memref<128xi32, #tpu.memory_space<vmem>>
        %dma_wait3A_62 = arith.constant 0 : i32
        %dma_wait3A_63 = arith.constant 0 : i32
        %dma_wait3A_64 = tpu.memref_slice %arg10[%dma_wait3A_62, %dma_wait3A_63] : memref<10240x128xf32, #tpu.memory_space<vmem_shared>> -> memref<10240x128xf32, #tpu.memory_space<vmem_shared>>
        tpu.wait_indirect_dma semaphore(%run_scoped3A : memref<!tpu.dma_semaphore, #tpu.memory_space<semaphore_mem>>) src(%arg9 : memref<128x128xf32, #tpu.memory_space<vmem>>) dst(%dma_wait3A_64 : memref<10240x128xf32, #tpu.memory_space<vmem_shared>>)
        tpu.yield
      }) : () -> ()
    }
    %barrier3A_41 = arith.constant 0 : index
    tpu.barrier barrier_id(%barrier3A_41)
    "tpu.region"() ({
      %run_scoped3A = tpu.sem_alloc : memref<!tpu.dma_semaphore, #tpu.memory_space<semaphore_mem>>
      %dma_start3A = arith.constant 0 : i32
      %dma_start3A_42 = tpu.memref_slice %arg6[%arg0, %mul3A_0, %dma_start3A] : memref<2x10240x128xf32, #tpu.memory_space<hbm>> -> memref<1x640x128xf32, #tpu.memory_space<hbm>>
      %dma_start3A_43 = tpu.memref_squeeze %dma_start3A_42 : memref<1x640x128xf32, #tpu.memory_space<hbm>> -> memref<640x128xf32, #tpu.memory_space<hbm>>
      %dma_start3A_44 = arith.constant 0 : i32
      %dma_start3A_45 = tpu.memref_slice %arg10[%mul3A_0, %dma_start3A_44] : memref<10240x128xf32, #tpu.memory_space<vmem_shared>> -> memref<640x128xf32, #tpu.memory_space<vmem_shared>>
      tpu.enqueue_dma source(%dma_start3A_45 : memref<640x128xf32, #tpu.memory_space<vmem_shared>>) target(%dma_start3A_43 : memref<640x128xf32, #tpu.memory_space<hbm>>) target_semaphore(%run_scoped3A : memref<!tpu.dma_semaphore, #tpu.memory_space<semaphore_mem>>)
      %dma_wait3A = arith.constant 0 : i32
      %dma_wait3A_46 = tpu.memref_slice %arg6[%arg0, %mul3A_0, %dma_wait3A] : memref<2x10240x128xf32, #tpu.memory_space<hbm>> -> memref<1x640x128xf32, #tpu.memory_space<hbm>>
      %dma_wait3A_47 = tpu.memref_squeeze %dma_wait3A_46 : memref<1x640x128xf32, #tpu.memory_space<hbm>> -> memref<640x128xf32, #tpu.memory_space<hbm>>
      %dma_wait3A_48 = arith.constant 0 : i32
      %dma_wait3A_49 = tpu.memref_slice %arg10[%mul3A_0, %dma_wait3A_48] : memref<10240x128xf32, #tpu.memory_space<vmem_shared>> -> memref<640x128xf32, #tpu.memory_space<vmem_shared>>
      tpu.wait_dma2 semaphore(%run_scoped3A : memref<!tpu.dma_semaphore, #tpu.memory_space<semaphore_mem>>) src(%dma_wait3A_49 : memref<640x128xf32, #tpu.memory_space<vmem_shared>>) dst(%dma_wait3A_47 : memref<640x128xf32, #tpu.memory_space<hbm>>)
      tpu.yield
    }) : () -> ()
    return
  }
}

#map = affine_map<(d0, d1) -> (0, 0)>
#map1 = affine_map<(d0, d1) -> (0, 0, 0)>
module attributes {stable_mosaic.version = 14 : i64} {
  func.func @seg_kernel(%arg0: i32, %arg1: i32, %arg2: memref<10240x128xf32, #tpu.memory_space<hbm>>, %arg3: memref<2608x128xi32, #tpu.memory_space<hbm>>, %arg4: memref<2608x128xi32, #tpu.memory_space<hbm>>, %arg5: memref<10240x128xf32, #tpu.memory_space<hbm>>, %arg6: memref<2x10240x128xf32, #tpu.memory_space<hbm>>, %arg7: memref<64x128xi32, #tpu.memory_space<vmem>>, %arg8: memref<64x128xi32, #tpu.memory_space<vmem>>, %arg9: memref<128x128xf32, #tpu.memory_space<vmem>>, %arg10: memref<10240x128xf32, #tpu.memory_space<vmem_shared>>, %arg11: memref<!tpu.dma_semaphore, #tpu.memory_space<semaphore_mem>>) attributes {dimension_semantics = [#tpu.dimension_semantics<core_parallel>, #tpu.dimension_semantics<subcore_parallel>], iteration_bounds = array<i64: 2, 16>, scalar_prefetch = 0 : i64, scratch_operands = 5 : i64, tpu.core_type = #tpu.core_type<sc_vector_subcore>, window_params = [{transform_indices = #map}, {transform_indices = #map}, {transform_indices = #map}, {transform_indices = #map}, {transform_indices = #map1}]} {
    %mul3A = arith.constant 640 : i32
    %mul3A_0 = arith.muli %arg1, %mul3A : i32
    "tpu.region"() ({
      %run_scoped3A = tpu.sem_alloc : memref<!tpu.dma_semaphore, #tpu.memory_space<semaphore_mem>>
      %dma_start3A = arith.constant 0 : i32
      %dma_start3A_42 = tpu.memref_slice %arg10[%mul3A_0, %dma_start3A] : memref<10240x128xf32, #tpu.memory_space<vmem_shared>> -> memref<640x128xf32, #tpu.memory_space<vmem_shared>>
      %dma_start3A_43 = arith.constant 0 : i32
      %dma_start3A_44 = tpu.memref_slice %arg5[%mul3A_0, %dma_start3A_43] : memref<10240x128xf32, #tpu.memory_space<hbm>> -> memref<640x128xf32, #tpu.memory_space<hbm>>
      tpu.enqueue_dma source(%dma_start3A_44 : memref<640x128xf32, #tpu.memory_space<hbm>>) target(%dma_start3A_42 : memref<640x128xf32, #tpu.memory_space<vmem_shared>>) target_semaphore(%run_scoped3A : memref<!tpu.dma_semaphore, #tpu.memory_space<semaphore_mem>>)
      %dma_wait3A = arith.constant 0 : i32
      %dma_wait3A_45 = tpu.memref_slice %arg10[%mul3A_0, %dma_wait3A] : memref<10240x128xf32, #tpu.memory_space<vmem_shared>> -> memref<640x128xf32, #tpu.memory_space<vmem_shared>>
      %dma_wait3A_46 = arith.constant 0 : i32
      %dma_wait3A_47 = tpu.memref_slice %arg5[%mul3A_0, %dma_wait3A_46] : memref<10240x128xf32, #tpu.memory_space<hbm>> -> memref<640x128xf32, #tpu.memory_space<hbm>>
      tpu.wait_dma2 semaphore(%run_scoped3A : memref<!tpu.dma_semaphore, #tpu.memory_space<semaphore_mem>>) src(%dma_wait3A_47 : memref<640x128xf32, #tpu.memory_space<hbm>>) dst(%dma_wait3A_45 : memref<640x128xf32, #tpu.memory_space<vmem_shared>>)
      tpu.yield
    }) : () -> ()
    %barrier3A = arith.constant 0 : index
    tpu.barrier barrier_id(%barrier3A)
    %eq3A = arith.constant 0 : i32
    %eq3A_1 = arith.cmpi eq, %arg0, %eq3A : i32
    %jit3A = arith.constant 64 : i32
    %jit3A_2 = arith.constant 16 : i32
    %select_n3A = arith.select %eq3A_1, %jit3A, %jit3A_2 : i32
    %eq3A_3 = arith.constant 0 : i32
    %eq3A_4 = arith.cmpi eq, %arg0, %eq3A_3 : i32
    %mul3A_5 = arith.constant 128 : i32
    %mul3A_6 = arith.muli %arg1, %mul3A_5 : i32
    %mul3A_7 = arith.constant 32 : i32
    %mul3A_8 = arith.muli %arg1, %mul3A_7 : i32
    %add3A = arith.constant 2048 : i32
    %add3A_9 = arith.addi %add3A, %mul3A_8 : i32
    %select_n3A_10 = arith.select %eq3A_4, %mul3A_6, %add3A_9 : i32
    %eq3A_11 = arith.constant 0 : i32
    %eq3A_12 = arith.cmpi eq, %arg0, %eq3A_11 : i32
    %jit3A_13 = arith.constant 64 : i32
    %jit3A_14 = arith.constant 16 : i32
    %select_n3A_15 = arith.select %eq3A_12, %jit3A_13, %jit3A_14 : i32
    %mul3A_16 = arith.constant 0 : i32
    %mul3A_17 = arith.muli %mul3A_16, %select_n3A_15 : i32
    %add3A_18 = arith.addi %select_n3A_10, %mul3A_17 : i32
    "tpu.region"() ({
      %run_scoped3A = tpu.sem_alloc : memref<!tpu.dma_semaphore, #tpu.memory_space<semaphore_mem>>
      %dma_start3A = arith.constant 0 : i32
      %dma_start3A_42 = tpu.memref_slice %arg3[%add3A_18, %dma_start3A] : memref<2608x128xi32, #tpu.memory_space<hbm>> -> memref<64x128xi32, #tpu.memory_space<hbm>>
      %dma_start3A_43 = arith.constant 0 : i32
      %dma_start3A_44 = tpu.memref_slice %arg3[%add3A_18, %dma_start3A_43] : memref<2608x128xi32, #tpu.memory_space<hbm>> -> memref<64x128xi32, #tpu.memory_space<hbm>>
      tpu.enqueue_dma source(%dma_start3A_44 : memref<64x128xi32, #tpu.memory_space<hbm>>) target(%arg7 : memref<64x128xi32, #tpu.memory_space<vmem>>) target_semaphore(%run_scoped3A : memref<!tpu.dma_semaphore, #tpu.memory_space<semaphore_mem>>)
      %dma_wait3A = arith.constant 0 : i32
      %dma_wait3A_45 = tpu.memref_slice %arg3[%add3A_18, %dma_wait3A] : memref<2608x128xi32, #tpu.memory_space<hbm>> -> memref<64x128xi32, #tpu.memory_space<hbm>>
      %dma_wait3A_46 = arith.constant 0 : i32
      %dma_wait3A_47 = tpu.memref_slice %arg3[%add3A_18, %dma_wait3A_46] : memref<2608x128xi32, #tpu.memory_space<hbm>> -> memref<64x128xi32, #tpu.memory_space<hbm>>
      tpu.wait_dma2 semaphore(%run_scoped3A : memref<!tpu.dma_semaphore, #tpu.memory_space<semaphore_mem>>) src(%dma_wait3A_47 : memref<64x128xi32, #tpu.memory_space<hbm>>) dst(%arg7 : memref<64x128xi32, #tpu.memory_space<vmem>>)
      tpu.yield
    }) : () -> ()
    "tpu.region"() ({
      %run_scoped3A = tpu.sem_alloc : memref<!tpu.dma_semaphore, #tpu.memory_space<semaphore_mem>>
      %dma_start3A = arith.constant 0 : i32
      %dma_start3A_42 = tpu.memref_slice %arg4[%add3A_18, %dma_start3A] : memref<2608x128xi32, #tpu.memory_space<hbm>> -> memref<64x128xi32, #tpu.memory_space<hbm>>
      %dma_start3A_43 = arith.constant 0 : i32
      %dma_start3A_44 = tpu.memref_slice %arg4[%add3A_18, %dma_start3A_43] : memref<2608x128xi32, #tpu.memory_space<hbm>> -> memref<64x128xi32, #tpu.memory_space<hbm>>
      tpu.enqueue_dma source(%dma_start3A_44 : memref<64x128xi32, #tpu.memory_space<hbm>>) target(%arg8 : memref<64x128xi32, #tpu.memory_space<vmem>>) target_semaphore(%run_scoped3A : memref<!tpu.dma_semaphore, #tpu.memory_space<semaphore_mem>>)
      %dma_wait3A = arith.constant 0 : i32
      %dma_wait3A_45 = tpu.memref_slice %arg4[%add3A_18, %dma_wait3A] : memref<2608x128xi32, #tpu.memory_space<hbm>> -> memref<64x128xi32, #tpu.memory_space<hbm>>
      %dma_wait3A_46 = arith.constant 0 : i32
      %dma_wait3A_47 = tpu.memref_slice %arg4[%add3A_18, %dma_wait3A_46] : memref<2608x128xi32, #tpu.memory_space<hbm>> -> memref<64x128xi32, #tpu.memory_space<hbm>>
      tpu.wait_dma2 semaphore(%run_scoped3A : memref<!tpu.dma_semaphore, #tpu.memory_space<semaphore_mem>>) src(%dma_wait3A_47 : memref<64x128xi32, #tpu.memory_space<hbm>>) dst(%arg8 : memref<64x128xi32, #tpu.memory_space<vmem>>)
      tpu.yield
    }) : () -> ()
    %while3A = arith.constant 0 : i32
    %while3A_19 = arith.constant 0 : i32
    %while3A_20 = arith.subi %select_n3A, %while3A_19 : i32
    %while3A_21 = arith.addi %while3A_19, %while3A_20 : i32
    %while3A_22 = arith.constant 1 : i32
    %while3A_23 = arith.divsi %while3A_20, %while3A_22 : i32
    %while3A_24 = arith.muli %while3A_23, %while3A_22 : i32
    %while3A_25 = arith.addi %while3A_19, %while3A_24 : i32
    %while3A_26 = arith.constant 1 : i32
    scf.for %while3A_42 = %while3A_19 to %while3A_25 step %while3A_26  : i32 {
      %dma_start3A = arith.constant 0 : i32
      %dma_start3A_43 = tpu.memref_slice %arg7[%while3A_42, %dma_start3A] : memref<64x128xi32, #tpu.memory_space<vmem>> -> memref<1x128xi32, #tpu.memory_space<vmem>>
      %dma_start3A_44 = tpu.memref_squeeze %dma_start3A_43 : memref<1x128xi32, #tpu.memory_space<vmem>> -> memref<128xi32, #tpu.memory_space<vmem>>
      %dma_start3A_45 = arith.constant 0 : i32
      %dma_start3A_46 = arith.constant 0 : i32
      %dma_start3A_47 = tpu.memref_slice %arg2[%dma_start3A_45, %dma_start3A_46] : memref<10240x128xf32, #tpu.memory_space<hbm>> -> memref<10240x128xf32, #tpu.memory_space<hbm>>
      tpu.enqueue_indirect_dma source(%dma_start3A_47 : memref<10240x128xf32, #tpu.memory_space<hbm>>) target(%arg9 : memref<128x128xf32, #tpu.memory_space<vmem>>) offsets(%dma_start3A_44 : memref<128xi32, #tpu.memory_space<vmem>>) semaphore(%arg11 : memref<!tpu.dma_semaphore, #tpu.memory_space<semaphore_mem>>)
      %dma_wait3A = arith.constant 0 : i32
      %dma_wait3A_48 = tpu.memref_slice %arg7[%while3A_42, %dma_wait3A] : memref<64x128xi32, #tpu.memory_space<vmem>> -> memref<1x128xi32, #tpu.memory_space<vmem>>
      %dma_wait3A_49 = tpu.memref_squeeze %dma_wait3A_48 : memref<1x128xi32, #tpu.memory_space<vmem>> -> memref<128xi32, #tpu.memory_space<vmem>>
      %dma_wait3A_50 = arith.constant 0 : i32
      %dma_wait3A_51 = arith.constant 0 : i32
      %dma_wait3A_52 = tpu.memref_slice %arg2[%dma_wait3A_50, %dma_wait3A_51] : memref<10240x128xf32, #tpu.memory_space<hbm>> -> memref<10240x128xf32, #tpu.memory_space<hbm>>
      tpu.wait_indirect_dma semaphore(%arg11 : memref<!tpu.dma_semaphore, #tpu.memory_space<semaphore_mem>>) src(%dma_wait3A_52 : memref<10240x128xf32, #tpu.memory_space<hbm>>) dst(%arg9 : memref<128x128xf32, #tpu.memory_space<vmem>>)
      "tpu.region"() ({
        %run_scoped3A = tpu.sem_alloc : memref<!tpu.dma_semaphore, #tpu.memory_space<semaphore_mem>>
        %dma_start3A_53 = arith.constant 0 : i32
        %dma_start3A_54 = tpu.memref_slice %arg8[%while3A_42, %dma_start3A_53] : memref<64x128xi32, #tpu.memory_space<vmem>> -> memref<1x128xi32, #tpu.memory_space<vmem>>
        %dma_start3A_55 = tpu.memref_squeeze %dma_start3A_54 : memref<1x128xi32, #tpu.memory_space<vmem>> -> memref<128xi32, #tpu.memory_space<vmem>>
        %dma_start3A_56 = arith.constant 0 : i32
        %dma_start3A_57 = arith.constant 0 : i32
        %dma_start3A_58 = tpu.memref_slice %arg10[%dma_start3A_56, %dma_start3A_57] : memref<10240x128xf32, #tpu.memory_space<vmem_shared>> -> memref<10240x128xf32, #tpu.memory_space<vmem_shared>>
        tpu.enqueue_indirect_dma source(%arg9 : memref<128x128xf32, #tpu.memory_space<vmem>>) target(%dma_start3A_58 : memref<10240x128xf32, #tpu.memory_space<vmem_shared>>) offsets(%dma_start3A_55 : memref<128xi32, #tpu.memory_space<vmem>>) semaphore(%run_scoped3A : memref<!tpu.dma_semaphore, #tpu.memory_space<semaphore_mem>>) {add = true}
        %dma_wait3A_59 = arith.constant 0 : i32
        %dma_wait3A_60 = tpu.memref_slice %arg8[%while3A_42, %dma_wait3A_59] : memref<64x128xi32, #tpu.memory_space<vmem>> -> memref<1x128xi32, #tpu.memory_space<vmem>>
        %dma_wait3A_61 = tpu.memref_squeeze %dma_wait3A_60 : memref<1x128xi32, #tpu.memory_space<vmem>> -> memref<128xi32, #tpu.memory_space<vmem>>
        %dma_wait3A_62 = arith.constant 0 : i32
        %dma_wait3A_63 = arith.constant 0 : i32
        %dma_wait3A_64 = tpu.memref_slice %arg10[%dma_wait3A_62, %dma_wait3A_63] : memref<10240x128xf32, #tpu.memory_space<vmem_shared>> -> memref<10240x128xf32, #tpu.memory_space<vmem_shared>>
        tpu.wait_indirect_dma semaphore(%run_scoped3A : memref<!tpu.dma_semaphore, #tpu.memory_space<semaphore_mem>>) src(%arg9 : memref<128x128xf32, #tpu.memory_space<vmem>>) dst(%dma_wait3A_64 : memref<10240x128xf32, #tpu.memory_space<vmem_shared>>)
        tpu.yield
      }) : () -> ()
    }
    %while3A_27 = arith.constant 1 : i32
    scf.for %while3A_42 = %while3A_25 to %while3A_21 step %while3A_27  : i32 {
      %dma_start3A = arith.constant 0 : i32
      %dma_start3A_43 = tpu.memref_slice %arg7[%while3A_42, %dma_start3A] : memref<64x128xi32, #tpu.memory_space<vmem>> -> memref<1x128xi32, #tpu.memory_space<vmem>>
      %dma_start3A_44 = tpu.memref_squeeze %dma_start3A_43 : memref<1x128xi32, #tpu.memory_space<vmem>> -> memref<128xi32, #tpu.memory_space<vmem>>
      %dma_start3A_45 = arith.constant 0 : i32
      %dma_start3A_46 = arith.constant 0 : i32
      %dma_start3A_47 = tpu.memref_slice %arg2[%dma_start3A_45, %dma_start3A_46] : memref<10240x128xf32, #tpu.memory_space<hbm>> -> memref<10240x128xf32, #tpu.memory_space<hbm>>
      tpu.enqueue_indirect_dma source(%dma_start3A_47 : memref<10240x128xf32, #tpu.memory_space<hbm>>) target(%arg9 : memref<128x128xf32, #tpu.memory_space<vmem>>) offsets(%dma_start3A_44 : memref<128xi32, #tpu.memory_space<vmem>>) semaphore(%arg11 : memref<!tpu.dma_semaphore, #tpu.memory_space<semaphore_mem>>)
      %dma_wait3A = arith.constant 0 : i32
      %dma_wait3A_48 = tpu.memref_slice %arg7[%while3A_42, %dma_wait3A] : memref<64x128xi32, #tpu.memory_space<vmem>> -> memref<1x128xi32, #tpu.memory_space<vmem>>
      %dma_wait3A_49 = tpu.memref_squeeze %dma_wait3A_48 : memref<1x128xi32, #tpu.memory_space<vmem>> -> memref<128xi32, #tpu.memory_space<vmem>>
      %dma_wait3A_50 = arith.constant 0 : i32
      %dma_wait3A_51 = arith.constant 0 : i32
      %dma_wait3A_52 = tpu.memref_slice %arg2[%dma_wait3A_50, %dma_wait3A_51] : memref<10240x128xf32, #tpu.memory_space<hbm>> -> memref<10240x128xf32, #tpu.memory_space<hbm>>
      tpu.wait_indirect_dma semaphore(%arg11 : memref<!tpu.dma_semaphore, #tpu.memory_space<semaphore_mem>>) src(%dma_wait3A_52 : memref<10240x128xf32, #tpu.memory_space<hbm>>) dst(%arg9 : memref<128x128xf32, #tpu.memory_space<vmem>>)
      "tpu.region"() ({
        %run_scoped3A = tpu.sem_alloc : memref<!tpu.dma_semaphore, #tpu.memory_space<semaphore_mem>>
        %dma_start3A_53 = arith.constant 0 : i32
        %dma_start3A_54 = tpu.memref_slice %arg8[%while3A_42, %dma_start3A_53] : memref<64x128xi32, #tpu.memory_space<vmem>> -> memref<1x128xi32, #tpu.memory_space<vmem>>
        %dma_start3A_55 = tpu.memref_squeeze %dma_start3A_54 : memref<1x128xi32, #tpu.memory_space<vmem>> -> memref<128xi32, #tpu.memory_space<vmem>>
        %dma_start3A_56 = arith.constant 0 : i32
        %dma_start3A_57 = arith.constant 0 : i32
        %dma_start3A_58 = tpu.memref_slice %arg10[%dma_start3A_56, %dma_start3A_57] : memref<10240x128xf32, #tpu.memory_space<vmem_shared>> -> memref<10240x128xf32, #tpu.memory_space<vmem_shared>>
        tpu.enqueue_indirect_dma source(%arg9 : memref<128x128xf32, #tpu.memory_space<vmem>>) target(%dma_start3A_58 : memref<10240x128xf32, #tpu.memory_space<vmem_shared>>) offsets(%dma_start3A_55 : memref<128xi32, #tpu.memory_space<vmem>>) semaphore(%run_scoped3A : memref<!tpu.dma_semaphore, #tpu.memory_space<semaphore_mem>>) {add = true}
        %dma_wait3A_59 = arith.constant 0 : i32
        %dma_wait3A_60 = tpu.memref_slice %arg8[%while3A_42, %dma_wait3A_59] : memref<64x128xi32, #tpu.memory_space<vmem>> -> memref<1x128xi32, #tpu.memory_space<vmem>>
        %dma_wait3A_61 = tpu.memref_squeeze %dma_wait3A_60 : memref<1x128xi32, #tpu.memory_space<vmem>> -> memref<128xi32, #tpu.memory_space<vmem>>
        %dma_wait3A_62 = arith.constant 0 : i32
        %dma_wait3A_63 = arith.constant 0 : i32
        %dma_wait3A_64 = tpu.memref_slice %arg10[%dma_wait3A_62, %dma_wait3A_63] : memref<10240x128xf32, #tpu.memory_space<vmem_shared>> -> memref<10240x128xf32, #tpu.memory_space<vmem_shared>>
        tpu.wait_indirect_dma semaphore(%run_scoped3A : memref<!tpu.dma_semaphore, #tpu.memory_space<semaphore_mem>>) src(%arg9 : memref<128x128xf32, #tpu.memory_space<vmem>>) dst(%dma_wait3A_64 : memref<10240x128xf32, #tpu.memory_space<vmem_shared>>)
        tpu.yield
      }) : () -> ()
    }
    %mul3A_28 = arith.constant 1 : i32
    %mul3A_29 = arith.muli %mul3A_28, %select_n3A_15 : i32
    %add3A_30 = arith.addi %select_n3A_10, %mul3A_29 : i32
    "tpu.region"() ({
      %run_scoped3A = tpu.sem_alloc : memref<!tpu.dma_semaphore, #tpu.memory_space<semaphore_mem>>
      %dma_start3A = arith.constant 0 : i32
      %dma_start3A_42 = tpu.memref_slice %arg3[%add3A_30, %dma_start3A] : memref<2608x128xi32, #tpu.memory_space<hbm>> -> memref<64x128xi32, #tpu.memory_space<hbm>>
      %dma_start3A_43 = arith.constant 0 : i32
      %dma_start3A_44 = tpu.memref_slice %arg3[%add3A_30, %dma_start3A_43] : memref<2608x128xi32, #tpu.memory_space<hbm>> -> memref<64x128xi32, #tpu.memory_space<hbm>>
      tpu.enqueue_dma source(%dma_start3A_44 : memref<64x128xi32, #tpu.memory_space<hbm>>) target(%arg7 : memref<64x128xi32, #tpu.memory_space<vmem>>) target_semaphore(%run_scoped3A : memref<!tpu.dma_semaphore, #tpu.memory_space<semaphore_mem>>)
      %dma_wait3A = arith.constant 0 : i32
      %dma_wait3A_45 = tpu.memref_slice %arg3[%add3A_30, %dma_wait3A] : memref<2608x128xi32, #tpu.memory_space<hbm>> -> memref<64x128xi32, #tpu.memory_space<hbm>>
      %dma_wait3A_46 = arith.constant 0 : i32
      %dma_wait3A_47 = tpu.memref_slice %arg3[%add3A_30, %dma_wait3A_46] : memref<2608x128xi32, #tpu.memory_space<hbm>> -> memref<64x128xi32, #tpu.memory_space<hbm>>
      tpu.wait_dma2 semaphore(%run_scoped3A : memref<!tpu.dma_semaphore, #tpu.memory_space<semaphore_mem>>) src(%dma_wait3A_47 : memref<64x128xi32, #tpu.memory_space<hbm>>) dst(%arg7 : memref<64x128xi32, #tpu.memory_space<vmem>>)
      tpu.yield
    }) : () -> ()
    "tpu.region"() ({
      %run_scoped3A = tpu.sem_alloc : memref<!tpu.dma_semaphore, #tpu.memory_space<semaphore_mem>>
      %dma_start3A = arith.constant 0 : i32
      %dma_start3A_42 = tpu.memref_slice %arg4[%add3A_30, %dma_start3A] : memref<2608x128xi32, #tpu.memory_space<hbm>> -> memref<64x128xi32, #tpu.memory_space<hbm>>
      %dma_start3A_43 = arith.constant 0 : i32
      %dma_start3A_44 = tpu.memref_slice %arg4[%add3A_30, %dma_start3A_43] : memref<2608x128xi32, #tpu.memory_space<hbm>> -> memref<64x128xi32, #tpu.memory_space<hbm>>
      tpu.enqueue_dma source(%dma_start3A_44 : memref<64x128xi32, #tpu.memory_space<hbm>>) target(%arg8 : memref<64x128xi32, #tpu.memory_space<vmem>>) target_semaphore(%run_scoped3A : memref<!tpu.dma_semaphore, #tpu.memory_space<semaphore_mem>>)
      %dma_wait3A = arith.constant 0 : i32
      %dma_wait3A_45 = tpu.memref_slice %arg4[%add3A_30, %dma_wait3A] : memref<2608x128xi32, #tpu.memory_space<hbm>> -> memref<64x128xi32, #tpu.memory_space<hbm>>
      %dma_wait3A_46 = arith.constant 0 : i32
      %dma_wait3A_47 = tpu.memref_slice %arg4[%add3A_30, %dma_wait3A_46] : memref<2608x128xi32, #tpu.memory_space<hbm>> -> memref<64x128xi32, #tpu.memory_space<hbm>>
      tpu.wait_dma2 semaphore(%run_scoped3A : memref<!tpu.dma_semaphore, #tpu.memory_space<semaphore_mem>>) src(%dma_wait3A_47 : memref<64x128xi32, #tpu.memory_space<hbm>>) dst(%arg8 : memref<64x128xi32, #tpu.memory_space<vmem>>)
      tpu.yield
    }) : () -> ()
    %while3A_31 = arith.constant 0 : i32
    %while3A_32 = arith.constant 0 : i32
    %while3A_33 = arith.subi %select_n3A, %while3A_32 : i32
    %while3A_34 = arith.addi %while3A_32, %while3A_33 : i32
    %while3A_35 = arith.constant 1 : i32
    %while3A_36 = arith.divsi %while3A_33, %while3A_35 : i32
    %while3A_37 = arith.muli %while3A_36, %while3A_35 : i32
    %while3A_38 = arith.addi %while3A_32, %while3A_37 : i32
    %while3A_39 = arith.constant 1 : i32
    scf.for %while3A_42 = %while3A_32 to %while3A_38 step %while3A_39  : i32 {
      %dma_start3A = arith.constant 0 : i32
      %dma_start3A_43 = tpu.memref_slice %arg7[%while3A_42, %dma_start3A] : memref<64x128xi32, #tpu.memory_space<vmem>> -> memref<1x128xi32, #tpu.memory_space<vmem>>
      %dma_start3A_44 = tpu.memref_squeeze %dma_start3A_43 : memref<1x128xi32, #tpu.memory_space<vmem>> -> memref<128xi32, #tpu.memory_space<vmem>>
      %dma_start3A_45 = arith.constant 0 : i32
      %dma_start3A_46 = arith.constant 0 : i32
      %dma_start3A_47 = tpu.memref_slice %arg2[%dma_start3A_45, %dma_start3A_46] : memref<10240x128xf32, #tpu.memory_space<hbm>> -> memref<10240x128xf32, #tpu.memory_space<hbm>>
      tpu.enqueue_indirect_dma source(%dma_start3A_47 : memref<10240x128xf32, #tpu.memory_space<hbm>>) target(%arg9 : memref<128x128xf32, #tpu.memory_space<vmem>>) offsets(%dma_start3A_44 : memref<128xi32, #tpu.memory_space<vmem>>) semaphore(%arg11 : memref<!tpu.dma_semaphore, #tpu.memory_space<semaphore_mem>>)
      %dma_wait3A = arith.constant 0 : i32
      %dma_wait3A_48 = tpu.memref_slice %arg7[%while3A_42, %dma_wait3A] : memref<64x128xi32, #tpu.memory_space<vmem>> -> memref<1x128xi32, #tpu.memory_space<vmem>>
      %dma_wait3A_49 = tpu.memref_squeeze %dma_wait3A_48 : memref<1x128xi32, #tpu.memory_space<vmem>> -> memref<128xi32, #tpu.memory_space<vmem>>
      %dma_wait3A_50 = arith.constant 0 : i32
      %dma_wait3A_51 = arith.constant 0 : i32
      %dma_wait3A_52 = tpu.memref_slice %arg2[%dma_wait3A_50, %dma_wait3A_51] : memref<10240x128xf32, #tpu.memory_space<hbm>> -> memref<10240x128xf32, #tpu.memory_space<hbm>>
      tpu.wait_indirect_dma semaphore(%arg11 : memref<!tpu.dma_semaphore, #tpu.memory_space<semaphore_mem>>) src(%dma_wait3A_52 : memref<10240x128xf32, #tpu.memory_space<hbm>>) dst(%arg9 : memref<128x128xf32, #tpu.memory_space<vmem>>)
      "tpu.region"() ({
        %run_scoped3A = tpu.sem_alloc : memref<!tpu.dma_semaphore, #tpu.memory_space<semaphore_mem>>
        %dma_start3A_53 = arith.constant 0 : i32
        %dma_start3A_54 = tpu.memref_slice %arg8[%while3A_42, %dma_start3A_53] : memref<64x128xi32, #tpu.memory_space<vmem>> -> memref<1x128xi32, #tpu.memory_space<vmem>>
        %dma_start3A_55 = tpu.memref_squeeze %dma_start3A_54 : memref<1x128xi32, #tpu.memory_space<vmem>> -> memref<128xi32, #tpu.memory_space<vmem>>
        %dma_start3A_56 = arith.constant 0 : i32
        %dma_start3A_57 = arith.constant 0 : i32
        %dma_start3A_58 = tpu.memref_slice %arg10[%dma_start3A_56, %dma_start3A_57] : memref<10240x128xf32, #tpu.memory_space<vmem_shared>> -> memref<10240x128xf32, #tpu.memory_space<vmem_shared>>
        tpu.enqueue_indirect_dma source(%arg9 : memref<128x128xf32, #tpu.memory_space<vmem>>) target(%dma_start3A_58 : memref<10240x128xf32, #tpu.memory_space<vmem_shared>>) offsets(%dma_start3A_55 : memref<128xi32, #tpu.memory_space<vmem>>) semaphore(%run_scoped3A : memref<!tpu.dma_semaphore, #tpu.memory_space<semaphore_mem>>) {add = true}
        %dma_wait3A_59 = arith.constant 0 : i32
        %dma_wait3A_60 = tpu.memref_slice %arg8[%while3A_42, %dma_wait3A_59] : memref<64x128xi32, #tpu.memory_space<vmem>> -> memref<1x128xi32, #tpu.memory_space<vmem>>
        %dma_wait3A_61 = tpu.memref_squeeze %dma_wait3A_60 : memref<1x128xi32, #tpu.memory_space<vmem>> -> memref<128xi32, #tpu.memory_space<vmem>>
        %dma_wait3A_62 = arith.constant 0 : i32
        %dma_wait3A_63 = arith.constant 0 : i32
        %dma_wait3A_64 = tpu.memref_slice %arg10[%dma_wait3A_62, %dma_wait3A_63] : memref<10240x128xf32, #tpu.memory_space<vmem_shared>> -> memref<10240x128xf32, #tpu.memory_space<vmem_shared>>
        tpu.wait_indirect_dma semaphore(%run_scoped3A : memref<!tpu.dma_semaphore, #tpu.memory_space<semaphore_mem>>) src(%arg9 : memref<128x128xf32, #tpu.memory_space<vmem>>) dst(%dma_wait3A_64 : memref<10240x128xf32, #tpu.memory_space<vmem_shared>>)
        tpu.yield
      }) : () -> ()
    }
    %while3A_40 = arith.constant 1 : i32
    scf.for %while3A_42 = %while3A_38 to %while3A_34 step %while3A_40  : i32 {
      %dma_start3A = arith.constant 0 : i32
      %dma_start3A_43 = tpu.memref_slice %arg7[%while3A_42, %dma_start3A] : memref<64x128xi32, #tpu.memory_space<vmem>> -> memref<1x128xi32, #tpu.memory_space<vmem>>
      %dma_start3A_44 = tpu.memref_squeeze %dma_start3A_43 : memref<1x128xi32, #tpu.memory_space<vmem>> -> memref<128xi32, #tpu.memory_space<vmem>>
      %dma_start3A_45 = arith.constant 0 : i32
      %dma_start3A_46 = arith.constant 0 : i32
      %dma_start3A_47 = tpu.memref_slice %arg2[%dma_start3A_45, %dma_start3A_46] : memref<10240x128xf32, #tpu.memory_space<hbm>> -> memref<10240x128xf32, #tpu.memory_space<hbm>>
      tpu.enqueue_indirect_dma source(%dma_start3A_47 : memref<10240x128xf32, #tpu.memory_space<hbm>>) target(%arg9 : memref<128x128xf32, #tpu.memory_space<vmem>>) offsets(%dma_start3A_44 : memref<128xi32, #tpu.memory_space<vmem>>) semaphore(%arg11 : memref<!tpu.dma_semaphore, #tpu.memory_space<semaphore_mem>>)
      %dma_wait3A = arith.constant 0 : i32
      %dma_wait3A_48 = tpu.memref_slice %arg7[%while3A_42, %dma_wait3A] : memref<64x128xi32, #tpu.memory_space<vmem>> -> memref<1x128xi32, #tpu.memory_space<vmem>>
      %dma_wait3A_49 = tpu.memref_squeeze %dma_wait3A_48 : memref<1x128xi32, #tpu.memory_space<vmem>> -> memref<128xi32, #tpu.memory_space<vmem>>
      %dma_wait3A_50 = arith.constant 0 : i32
      %dma_wait3A_51 = arith.constant 0 : i32
      %dma_wait3A_52 = tpu.memref_slice %arg2[%dma_wait3A_50, %dma_wait3A_51] : memref<10240x128xf32, #tpu.memory_space<hbm>> -> memref<10240x128xf32, #tpu.memory_space<hbm>>
      tpu.wait_indirect_dma semaphore(%arg11 : memref<!tpu.dma_semaphore, #tpu.memory_space<semaphore_mem>>) src(%dma_wait3A_52 : memref<10240x128xf32, #tpu.memory_space<hbm>>) dst(%arg9 : memref<128x128xf32, #tpu.memory_space<vmem>>)
      "tpu.region"() ({
        %run_scoped3A = tpu.sem_alloc : memref<!tpu.dma_semaphore, #tpu.memory_space<semaphore_mem>>
        %dma_start3A_53 = arith.constant 0 : i32
        %dma_start3A_54 = tpu.memref_slice %arg8[%while3A_42, %dma_start3A_53] : memref<64x128xi32, #tpu.memory_space<vmem>> -> memref<1x128xi32, #tpu.memory_space<vmem>>
        %dma_start3A_55 = tpu.memref_squeeze %dma_start3A_54 : memref<1x128xi32, #tpu.memory_space<vmem>> -> memref<128xi32, #tpu.memory_space<vmem>>
        %dma_start3A_56 = arith.constant 0 : i32
        %dma_start3A_57 = arith.constant 0 : i32
        %dma_start3A_58 = tpu.memref_slice %arg10[%dma_start3A_56, %dma_start3A_57] : memref<10240x128xf32, #tpu.memory_space<vmem_shared>> -> memref<10240x128xf32, #tpu.memory_space<vmem_shared>>
        tpu.enqueue_indirect_dma source(%arg9 : memref<128x128xf32, #tpu.memory_space<vmem>>) target(%dma_start3A_58 : memref<10240x128xf32, #tpu.memory_space<vmem_shared>>) offsets(%dma_start3A_55 : memref<128xi32, #tpu.memory_space<vmem>>) semaphore(%run_scoped3A : memref<!tpu.dma_semaphore, #tpu.memory_space<semaphore_mem>>) {add = true}
        %dma_wait3A_59 = arith.constant 0 : i32
        %dma_wait3A_60 = tpu.memref_slice %arg8[%while3A_42, %dma_wait3A_59] : memref<64x128xi32, #tpu.memory_space<vmem>> -> memref<1x128xi32, #tpu.memory_space<vmem>>
        %dma_wait3A_61 = tpu.memref_squeeze %dma_wait3A_60 : memref<1x128xi32, #tpu.memory_space<vmem>> -> memref<128xi32, #tpu.memory_space<vmem>>
        %dma_wait3A_62 = arith.constant 0 : i32
        %dma_wait3A_63 = arith.constant 0 : i32
        %dma_wait3A_64 = tpu.memref_slice %arg10[%dma_wait3A_62, %dma_wait3A_63] : memref<10240x128xf32, #tpu.memory_space<vmem_shared>> -> memref<10240x128xf32, #tpu.memory_space<vmem_shared>>
        tpu.wait_indirect_dma semaphore(%run_scoped3A : memref<!tpu.dma_semaphore, #tpu.memory_space<semaphore_mem>>) src(%arg9 : memref<128x128xf32, #tpu.memory_space<vmem>>) dst(%dma_wait3A_64 : memref<10240x128xf32, #tpu.memory_space<vmem_shared>>)
        tpu.yield
      }) : () -> ()
    }
    %barrier3A_41 = arith.constant 0 : index
    tpu.barrier barrier_id(%barrier3A_41)
    "tpu.region"() ({
      %run_scoped3A = tpu.sem_alloc : memref<!tpu.dma_semaphore, #tpu.memory_space<semaphore_mem>>
      %dma_start3A = arith.constant 0 : i32
      %dma_start3A_42 = tpu.memref_slice %arg6[%arg0, %mul3A_0, %dma_start3A] : memref<2x10240x128xf32, #tpu.memory_space<hbm>> -> memref<1x640x128xf32, #tpu.memory_space<hbm>>
      %dma_start3A_43 = tpu.memref_squeeze %dma_start3A_42 : memref<1x640x128xf32, #tpu.memory_space<hbm>> -> memref<640x128xf32, #tpu.memory_space<hbm>>
      %dma_start3A_44 = arith.constant 0 : i32
      %dma_start3A_45 = tpu.memref_slice %arg10[%mul3A_0, %dma_start3A_44] : memref<10240x128xf32, #tpu.memory_space<vmem_shared>> -> memref<640x128xf32, #tpu.memory_space<vmem_shared>>
      tpu.enqueue_dma source(%dma_start3A_45 : memref<640x128xf32, #tpu.memory_space<vmem_shared>>) target(%dma_start3A_43 : memref<640x128xf32, #tpu.memory_space<hbm>>) target_semaphore(%run_scoped3A : memref<!tpu.dma_semaphore, #tpu.memory_space<semaphore_mem>>)
      %dma_wait3A = arith.constant 0 : i32
      %dma_wait3A_46 = tpu.memref_slice %arg6[%arg0, %mul3A_0, %dma_wait3A] : memref<2x10240x128xf32, #tpu.memory_space<hbm>> -> memref<1x640x128xf32, #tpu.memory_space<hbm>>
      %dma_wait3A_47 = tpu.memref_squeeze %dma_wait3A_46 : memref<1x640x128xf32, #tpu.memory_space<hbm>> -> memref<640x128xf32, #tpu.memory_space<hbm>>
      %dma_wait3A_48 = arith.constant 0 : i32
      %dma_wait3A_49 = tpu.memref_slice %arg10[%mul3A_0, %dma_wait3A_48] : memref<10240x128xf32, #tpu.memory_space<vmem_shared>> -> memref<640x128xf32, #tpu.memory_space<vmem_shared>>
      tpu.wait_dma2 semaphore(%run_scoped3A : memref<!tpu.dma_semaphore, #tpu.memory_space<semaphore_mem>>) src(%dma_wait3A_49 : memref<640x128xf32, #tpu.memory_space<vmem_shared>>) dst(%dma_wait3A_47 : memref<640x128xf32, #tpu.memory_space<hbm>>)
      tpu.yield
    }) : () -> ()
    return
  }
}

module attributes {stable_mosaic.version = 14 : i64} {
  func.func @body(%arg0: memref<2x10240xf32, #tpu.memory_space<vmem>>, %arg1: memref<1x10240xf32, #tpu.memory_space<vmem>>) attributes {dimension_semantics = [], scalar_prefetch = 0 : i64, scratch_operands = 0 : i64, tpu.core_type = #tpu.core_type<tc>} {
    %get3A = arith.constant 0 : index
    %get3A_0 = arith.constant 0 : index
    %get3A_1 = vector.load %arg0[%get3A, %get3A_0] : memref<2x10240xf32, #tpu.memory_space<vmem>>, vector<1x10240xf32>
    %get3A_2 = arith.constant 1 : index
    %get3A_3 = arith.constant 0 : index
    %get3A_4 = vector.load %arg0[%get3A_2, %get3A_3] : memref<2x10240xf32, #tpu.memory_space<vmem>>, vector<1x10240xf32>
    %add3A = arith.addf %get3A_1, %get3A_4 : vector<1x10240xf32>
    %max3A = arith.constant 1.000000e+00 : f32
    %max3A_5 = vector.broadcast %max3A : f32 to vector<1x10240xf32>
    %max3A_6 = arith.maximumf %add3A, %max3A_5 : vector<1x10240xf32>
    %rsqrt3A = math.rsqrt %max3A_6 : vector<1x10240xf32>
    %swap3A = arith.constant 0 : index
    %swap3A_7 = arith.constant 0 : index
    %swap3A_8 = vector.load %arg1[%swap3A, %swap3A_7] : memref<1x10240xf32, #tpu.memory_space<vmem>>, vector<1x10240xf32>
    tpu.vector_store %arg1[%swap3A, %swap3A_7], %rsqrt3A {strides = array<i32>} : memref<1x10240xf32, #tpu.memory_space<vmem>>, vector<1x10240xf32>,
    return
  }
}

module attributes {stable_mosaic.version = 14 : i64} {
  func.func @body(%arg0: i32, %arg1: memref<640x128xf32, #tpu.memory_space<vmem>>, %arg2: memref<640x1xf32, #tpu.memory_space<vmem>>, %arg3: memref<640x128xf32, #tpu.memory_space<vmem>>) attributes {dimension_semantics = [#tpu.dimension_semantics<arbitrary>], iteration_bounds = array<i64: 16>, scalar_prefetch = 0 : i64, scratch_operands = 0 : i64, tpu.core_type = #tpu.core_type<tc>, window_params = [{transform_indices = @transform_0, window_bounds = array<i64: 640, 128>}, {transform_indices = @transform_1, window_bounds = array<i64: 640, 1>}, {transform_indices = @transform_2, window_bounds = array<i64: 640, 128>}]} {
    %get3A = arith.constant 0 : index
    %get3A_0 = arith.constant 0 : index
    %get3A_1 = vector.load %arg1[%get3A, %get3A_0] : memref<640x128xf32, #tpu.memory_space<vmem>>, vector<640x128xf32>
    %get3A_2 = arith.constant 0 : index
    %get3A_3 = arith.constant 0 : index
    %get3A_4 = vector.load %arg2[%get3A_2, %get3A_3] : memref<640x1xf32, #tpu.memory_space<vmem>>, vector<640x1xf32>
    %mul3A = vector.broadcast %get3A_4 : vector<640x1xf32> to vector<640x128xf32>
    %mul3A_5 = arith.mulf %get3A_1, %mul3A : vector<640x128xf32>
    %swap3A = arith.constant 0 : index
    %swap3A_6 = arith.constant 0 : index
    %swap3A_7 = vector.load %arg3[%swap3A, %swap3A_6] : memref<640x128xf32, #tpu.memory_space<vmem>>, vector<640x128xf32>
    tpu.vector_store %arg3[%swap3A, %swap3A_6], %mul3A_5 {strides = array<i32>} : memref<640x128xf32, #tpu.memory_space<vmem>>, vector<640x128xf32>,
    return
  }
  func.func @transform_0(%arg0: i32) -> (i32, i32) {
    %c0_i32 = arith.constant 0 : i32
    %c0_i32_0 = arith.constant 0 : i32
    return %arg0, %c0_i32 : i32, i32
  }
  func.func @transform_1(%arg0: i32) -> (i32, i32) {
    %c0_i32 = arith.constant 0 : i32
    %c0_i32_0 = arith.constant 0 : i32
    return %arg0, %c0_i32 : i32, i32
  }
  func.func @transform_2(%arg0: i32) -> (i32, i32) {
    %c0_i32 = arith.constant 0 : i32
    %c0_i32_0 = arith.constant 0 : i32
    return %arg0, %c0_i32 : i32, i32
  }
}

module attributes {stable_mosaic.version = 14 : i64} {
  func.func @body(%arg0: i32, %arg1: memref<640x128xf32, #tpu.memory_space<vmem>>, %arg2: memref<2x640x128xf32, #tpu.memory_space<vmem>>, %arg3: memref<640x1xf32, #tpu.memory_space<vmem>>, %arg4: memref<640x128xf32, #tpu.memory_space<vmem>>, %arg5: memref<640x128xf32, #tpu.memory_space<vmem>>) attributes {dimension_semantics = [#tpu.dimension_semantics<arbitrary>], iteration_bounds = array<i64: 16>, scalar_prefetch = 0 : i64, scratch_operands = 0 : i64, tpu.core_type = #tpu.core_type<tc>, window_params = [{transform_indices = @transform_0, window_bounds = array<i64: 640, 128>}, {transform_indices = @transform_1, window_bounds = array<i64: 2, 640, 128>}, {transform_indices = @transform_2, window_bounds = array<i64: 640, 1>}, {transform_indices = @transform_3, window_bounds = array<i64: 640, 128>}, {transform_indices = @transform_4, window_bounds = array<i64: 640, 128>}]} {
    %get3A = arith.constant 0 : index
    %get3A_0 = arith.constant 0 : index
    %get3A_1 = arith.constant 0 : index
    %get3A_2 = vector.load %arg2[%get3A, %get3A_0, %get3A_1] : memref<2x640x128xf32, #tpu.memory_space<vmem>>, vector<2x640x128xf32>
    %get3A_3 = arith.constant 0 : index
    %get3A_4 = arith.constant 0 : index
    %get3A_5 = vector.load %arg3[%get3A_3, %get3A_4] : memref<640x1xf32, #tpu.memory_space<vmem>>, vector<640x1xf32>
    %get3A_6 = arith.constant 0 : index
    %get3A_7 = arith.constant 0 : index
    %get3A_8 = vector.load %arg1[%get3A_6, %get3A_7] : memref<640x128xf32, #tpu.memory_space<vmem>>, vector<640x128xf32>
    %slice3A = vector.extract_strided_slice %get3A_2 {offsets = [0, 0, 0], sizes = [1, 640, 128], strides = [1, 1, 1]} : vector<2x640x128xf32> to vector<1x640x128xf32>
    %squeeze3A = vector.shape_cast %slice3A : vector<1x640x128xf32> to vector<640x128xf32>
    %slice3A_9 = vector.extract_strided_slice %get3A_2 {offsets = [1, 0, 0], sizes = [1, 640, 128], strides = [1, 1, 1]} : vector<2x640x128xf32> to vector<1x640x128xf32>
    %squeeze3A_10 = vector.shape_cast %slice3A_9 : vector<1x640x128xf32> to vector<640x128xf32>
    %add3A = arith.addf %squeeze3A, %squeeze3A_10 : vector<640x128xf32>
    %mul3A = vector.broadcast %get3A_5 : vector<640x1xf32> to vector<640x128xf32>
    %mul3A_11 = arith.mulf %add3A, %mul3A : vector<640x128xf32>
    %sub3A = arith.subf %get3A_8, %mul3A_11 : vector<640x128xf32>
    %swap3A = arith.constant 0 : index
    %swap3A_12 = arith.constant 0 : index
    %swap3A_13 = vector.load %arg4[%swap3A, %swap3A_12] : memref<640x128xf32, #tpu.memory_space<vmem>>, vector<640x128xf32>
    tpu.vector_store %arg4[%swap3A, %swap3A_12], %sub3A {strides = array<i32>} : memref<640x128xf32, #tpu.memory_space<vmem>>, vector<640x128xf32>,
    %mul3A_14 = vector.broadcast %get3A_5 : vector<640x1xf32> to vector<640x128xf32>
    %mul3A_15 = arith.mulf %sub3A, %mul3A_14 : vector<640x128xf32>
    %swap3A_16 = arith.constant 0 : index
    %swap3A_17 = arith.constant 0 : index
    %swap3A_18 = vector.load %arg5[%swap3A_16, %swap3A_17] : memref<640x128xf32, #tpu.memory_space<vmem>>, vector<640x128xf32>
    tpu.vector_store %arg5[%swap3A_16, %swap3A_17], %mul3A_15 {strides = array<i32>} : memref<640x128xf32, #tpu.memory_space<vmem>>, vector<640x128xf32>,
    return
  }
  func.func @transform_0(%arg0: i32) -> (i32, i32) {
    %c0_i32 = arith.constant 0 : i32
    %c0_i32_0 = arith.constant 0 : i32
    return %arg0, %c0_i32 : i32, i32
  }
  func.func @transform_1(%arg0: i32) -> (i32, i32, i32) {
    %c0_i32 = arith.constant 0 : i32
    %c0_i32_0 = arith.constant 0 : i32
    %c0_i32_1 = arith.constant 0 : i32
    return %c0_i32, %arg0, %c0_i32_0 : i32, i32, i32
  }
  func.func @transform_2(%arg0: i32) -> (i32, i32) {
    %c0_i32 = arith.constant 0 : i32
    %c0_i32_0 = arith.constant 0 : i32
    return %arg0, %c0_i32 : i32, i32
  }
  func.func @transform_3(%arg0: i32) -> (i32, i32) {
    %c0_i32 = arith.constant 0 : i32
    %c0_i32_0 = arith.constant 0 : i32
    return %arg0, %c0_i32 : i32, i32
  }
  func.func @transform_4(%arg0: i32) -> (i32, i32) {
    %c0_i32 = arith.constant 0 : i32
    %c0_i32_0 = arith.constant 0 : i32
    return %arg0, %c0_i32 : i32, i32
  }
}

module attributes {stable_mosaic.version = 14 : i64} {
  func.func @body(%arg0: i32, %arg1: memref<640x128xf32, #tpu.memory_space<vmem>>, %arg2: memref<640x128xf32, #tpu.memory_space<vmem>>, %arg3: memref<2x640x128xf32, #tpu.memory_space<vmem>>, %arg4: memref<640x1xf32, #tpu.memory_space<vmem>>, %arg5: memref<640x128xf32, #tpu.memory_space<vmem>>) attributes {dimension_semantics = [#tpu.dimension_semantics<arbitrary>], iteration_bounds = array<i64: 16>, scalar_prefetch = 0 : i64, scratch_operands = 0 : i64, tpu.core_type = #tpu.core_type<tc>, window_params = [{transform_indices = @transform_0, window_bounds = array<i64: 640, 128>}, {transform_indices = @transform_1, window_bounds = array<i64: 640, 128>}, {transform_indices = @transform_2, window_bounds = array<i64: 2, 640, 128>}, {transform_indices = @transform_3, window_bounds = array<i64: 640, 1>}, {transform_indices = @transform_4, window_bounds = array<i64: 640, 128>}]} {
    %get3A = arith.constant 0 : index
    %get3A_0 = arith.constant 0 : index
    %get3A_1 = arith.constant 0 : index
    %get3A_2 = vector.load %arg3[%get3A, %get3A_0, %get3A_1] : memref<2x640x128xf32, #tpu.memory_space<vmem>>, vector<2x640x128xf32>
    %get3A_3 = arith.constant 0 : index
    %get3A_4 = arith.constant 0 : index
    %get3A_5 = vector.load %arg1[%get3A_3, %get3A_4] : memref<640x128xf32, #tpu.memory_space<vmem>>, vector<640x128xf32>
    %mul3A = arith.constant 6.000000e-01 : f32
    %mul3A_6 = vector.broadcast %mul3A : f32 to vector<640x128xf32>
    %mul3A_7 = arith.mulf %mul3A_6, %get3A_5 : vector<640x128xf32>
    %get3A_8 = arith.constant 0 : index
    %get3A_9 = arith.constant 0 : index
    %get3A_10 = vector.load %arg2[%get3A_8, %get3A_9] : memref<640x128xf32, #tpu.memory_space<vmem>>, vector<640x128xf32>
    %mul3A_11 = arith.constant -2.000000e-01 : f32
    %mul3A_12 = vector.broadcast %mul3A_11 : f32 to vector<640x128xf32>
    %mul3A_13 = arith.mulf %mul3A_12, %get3A_10 : vector<640x128xf32>
    %add3A = arith.addf %mul3A_7, %mul3A_13 : vector<640x128xf32>
    %slice3A = vector.extract_strided_slice %get3A_2 {offsets = [0, 0, 0], sizes = [1, 640, 128], strides = [1, 1, 1]} : vector<2x640x128xf32> to vector<1x640x128xf32>
    %squeeze3A = vector.shape_cast %slice3A : vector<1x640x128xf32> to vector<640x128xf32>
    %slice3A_14 = vector.extract_strided_slice %get3A_2 {offsets = [1, 0, 0], sizes = [1, 640, 128], strides = [1, 1, 1]} : vector<2x640x128xf32> to vector<1x640x128xf32>
    %squeeze3A_15 = vector.shape_cast %slice3A_14 : vector<1x640x128xf32> to vector<640x128xf32>
    %add3A_16 = arith.addf %squeeze3A, %squeeze3A_15 : vector<640x128xf32>
    %mul3A_17 = arith.constant 2.000000e-01 : f32
    %mul3A_18 = vector.broadcast %mul3A_17 : f32 to vector<640x128xf32>
    %mul3A_19 = arith.mulf %mul3A_18, %add3A_16 : vector<640x128xf32>
    %get3A_20 = arith.constant 0 : index
    %get3A_21 = arith.constant 0 : index
    %get3A_22 = vector.load %arg4[%get3A_20, %get3A_21] : memref<640x1xf32, #tpu.memory_space<vmem>>, vector<640x1xf32>
    %mul3A_23 = vector.broadcast %get3A_22 : vector<640x1xf32> to vector<640x128xf32>
    %mul3A_24 = arith.mulf %mul3A_19, %mul3A_23 : vector<640x128xf32>
    %sub3A = arith.subf %add3A, %mul3A_24 : vector<640x128xf32>
    %swap3A = arith.constant 0 : index
    %swap3A_25 = arith.constant 0 : index
    %swap3A_26 = vector.load %arg5[%swap3A, %swap3A_25] : memref<640x128xf32, #tpu.memory_space<vmem>>, vector<640x128xf32>
    tpu.vector_store %arg5[%swap3A, %swap3A_25], %sub3A {strides = array<i32>} : memref<640x128xf32, #tpu.memory_space<vmem>>, vector<640x128xf32>,
    return
  }
  func.func @transform_0(%arg0: i32) -> (i32, i32) {
    %c0_i32 = arith.constant 0 : i32
    %c0_i32_0 = arith.constant 0 : i32
    return %arg0, %c0_i32 : i32, i32
  }
  func.func @transform_1(%arg0: i32) -> (i32, i32) {
    %c0_i32 = arith.constant 0 : i32
    %c0_i32_0 = arith.constant 0 : i32
    return %arg0, %c0_i32 : i32, i32
  }
  func.func @transform_2(%arg0: i32) -> (i32, i32, i32) {
    %c0_i32 = arith.constant 0 : i32
    %c0_i32_0 = arith.constant 0 : i32
    %c0_i32_1 = arith.constant 0 : i32
    return %c0_i32, %arg0, %c0_i32_0 : i32, i32, i32
  }
  func.func @transform_3(%arg0: i32) -> (i32, i32) {
    %c0_i32 = arith.constant 0 : i32
    %c0_i32_0 = arith.constant 0 : i32
    return %arg0, %c0_i32 : i32, i32
  }
  func.func @transform_4(%arg0: i32) -> (i32, i32) {
    %c0_i32 = arith.constant 0 : i32
    %c0_i32_0 = arith.constant 0 : i32
    return %arg0, %c0_i32 : i32, i32
  }
}

</mosaic_0001>

<sc_bundles>
// kernel: kernel.12.cloned.1.call-start
scs
__scs_entry_jumppad:
0x0: {  	(pc) =	sbr.rel $0x88, $3  }
0x1: {  	(tag) =	ssettag $0x0;
	lr =	simm.s32 $0x1  }
0x2: {  	[smem:$0x3F9F] =	sst lr;
	_ =	strace $0xD0000000  }
0x3: {  	_ = 	snop  }
0x4: {  	_ = 	snop  }
0x5: {  	_ = 	snop  }
0x6: {  	_ = 	snop  }
0x7: {  	_ = 	snop  }
__scs_overlays_trampoline_lowered:
0x8: {  	[smem:$0x3FAE] =	sst s0  }
0x9: {  	[smem:$0x3FAF] =	sst s1  }
0xa: {  	[smem:$0x3FB0] =	sst s2  }
0xb: {  	[smem:$0x3FB1] =	sst s3  }
0xc: {  	[smem:$0x3FB2] =	sst s4  }
0xd: {  	[smem:$0x3FB3] =	sst s5  }
0xe: {  	[smem:$0x3FB4] =	sst s6  }
0xf: {  	[smem:$0x3FB5] =	sst s7  }
0x10: {  	[smem:$0x3FB6] =	sst s8  }
0x11: {  	[smem:$0x3FB7] =	sst s9;
	s0 =	simm.s32 @!p0 $0x0  }
0x12: {  	s1 =	sld [smem:$0x3F9D];
	s0 =	simm.s32 @p0 $0x1  }
0x13: {  	[smem:$0x3FB8] =	sst s0;
	s0 =	simm.s32 @!p1 $0x0  }
0x14: {  	s2 =	sld [smem:$0x3F9C];
	s0 =	simm.s32 @p1 $0x1  }
0x15: {  	[smem:$0x3FB9] =	sst s0;
	s0 =	simm.s32 @!p2 $0x0  }
0x16: {  	s3 =	sld [smem:$0x3FDB];
	s0 =	simm.s32 @p2 $0x1  }
0x17: {  	s4 =	simm.s32 $0x1BF5;
	[smem:$0x3FBB] =	sst s0  }
0x18: {  	s0 =	sld [smem:$0x3F9E];
	_ =	swait.ge [sflag:s4], $0x0  }
0x19: {  	s7 =	sld [smem:$0x3F9F]  }
0x1a: {  	s8 =	sadd.s32 $0xFFFFE003, lr  }
0x1b: {  	s9 =	sadd.s32 $0xFFFFFEF7, lr;
	s5 =	simm.s32 $0xFFFFFFFF;
	p2 =	slt.u32 s8, $0xFFFFF086  }
0x1c: {  	p1 =	slt.u32 s9, $0xF7A;
	s5 =	simm.s32 @!p2 $0x0  }
0x1d: {  	s5 =	simm.s32 @p1 $0x1;
	p0 =	seq.s32 s7, s2  }
0x1e: {  	s7 =	smul.u32 @!p0 $0xF7A, s2;
	p2 =	seq.s32 @!p0 s5, $0x0  }
0x1f: {  	s9 =	smul.u32 $0xF7A, s1;
	s8 =	simm.s32 @!p0 $0x1BF5;
	p2 =	por !p2, p0  }
0x20: {  	[sflag:s8] =	ssyncset.s32 @!p0 $0xFFFFF086;
	s6 =	sadd.s32 @!p0 s3, s7;
	s7 =	simm.s32 @!p0 $0x108  }
0x21: {  	s3 =	sadd.s32 s3, s9;
	s6 =	sadd.s32 @!p0 $0x88, s6;
	s7 =	simm.s32 @p2 $0x1082  }
0x22: {  	[simem:s7], [sflag:s8] =	dma.local @!p0 [hbm:s6], $0xF7A  }
0x23: {  	s9 =	sor.u32 $0xD0000000, s2;
	s6 =	simm.s32 $0x108;
	_ =	swait.ge @!p0 [sflag:s8], $0x0  }
0x24: {  	s3 =	sadd.s32 $0x88, s3;
	s6 =	simm.s32 @!p1 $0x1082;
	[sflag:s4] =	ssyncset.s32 $0xFFFFF086  }
0x25: {  	[simem:s6], [sflag:s4] =	dma.local [hbm:s3], $0xF7A  }
0x26: {  	[smem:$0x3F9F] =	sst s1;
	(tag) =	ssettag s2;
	_ =	strace s9  }
0x27: {  	s1 =	sld [smem:$0x3FAF]  }
0x28: {  	s2 =	sld [smem:$0x3FB0]  }
0x29: {  	s4 =	sld [smem:$0x3FB2]  }
0x2a: {  	p0 =	seq.s32 s5, $0x0;
	s5 =	sld [smem:$0x3FB3]  }
0x2b: {  	s6 =	sld [smem:$0x3FB4]  }
0x2c: {  	s7 =	sld [smem:$0x3FB5]  }
0x2d: {  	s3 =	simm.s32 $0x108;
	s8 =	sld [smem:$0x3FB6]  }
0x2e: {  	s3 =	simm.s32 @!p0 $0x1082;
	s9 =	sld [smem:$0x3FB7]  }
0x2f: {  	lr =	sadd.s32 s0, s3;
	s0 =	sld [smem:$0x3FAE]  }
0x30: {  	s3 =	sld [smem:$0x3FB1]  }
0x31: {  	[smem:$0x3FBA] =	sst s10  }
0x32: {  	s10 =	sld [smem:$0x3FB8];
	_ =	sdelay $0x3  }
0x33: {  	p0 =	seq.s32 s10, $0x1;
	s10 =	sld [smem:$0x3FBA];
	_ =	sdelay $0x3  }
0x34: {  	[smem:$0x3FBA] =	sst s10  }
0x35: {  	s10 =	sld [smem:$0x3FB9];
	_ =	sdelay $0x3  }
0x36: {  	p1 =	seq.s32 s10, $0x1;
	s10 =	sld [smem:$0x3FBA];
	_ =	sdelay $0x3  }
0x37: {  	[smem:$0x3FBA] =	sst s10  }
0x38: {  	s10 =	sld [smem:$0x3FBB]  }
0x39: {  	_ = 	snop;
	(pc) =	sbr.ind lr, $3  }
0x3a: {  	_ = 	snop  }
0x3b: {  	_ = 	snop  }
0x3c: {  	p2 =	seq.s32 s10, $0x1;
	s10 =	sld [smem:$0x3FBA]  }
0x3d: {  	_ =	shalt  }
0x3e: {  	_ =	shalt  }
0x3f: {  	_ =	shalt  }
0x40: {  	_ =	shalt  }
0x41: {  	_ =	shalt  }
0x42: {  	_ =	shalt  }
0x43: {  	_ =	shalt  }
0x44: {  	_ =	shalt  }
0x45: {  	_ =	shalt  }
0x46: {  	_ =	shalt  }
0x47: {  	_ =	shalt  }
0x48: {  	_ =	shalt  }
0x49: {  	_ =	shalt  }
0x4a: {  	_ =	shalt  }
0x4b: {  	_ =	shalt  }
0x4c: {  	_ =	shalt  }
0x4d: {  	_ =	shalt  }
0x4e: {  	_ =	shalt  }
0x4f: {  	_ =	shalt  }
0x50: {  	_ =	shalt  }
0x51: {  	_ =	shalt  }
0x52: {  	_ =	shalt  }
0x53: {  	_ =	shalt  }
0x54: {  	_ =	shalt  }
0x55: {  	_ =	shalt  }
0x56: {  	_ =	shalt  }
0x57: {  	_ =	shalt  }
0x58: {  	_ =	shalt  }
0x59: {  	_ =	shalt  }
0x5a: {  	_ =	shalt  }
0x5b: {  	_ =	shalt  }
0x5c: {  	_ =	shalt  }
0x5d: {  	_ =	shalt  }
0x5e: {  	_ =	shalt  }
0x5f: {  	_ =	shalt  }
0x60: {  	_ =	shalt  }
0x61: {  	_ =	shalt  }
0x62: {  	_ =	shalt  }
0x63: {  	_ =	shalt  }
0x64: {  	_ =	shalt  }
0x65: {  	_ =	shalt  }
0x66: {  	_ =	shalt  }
0x67: {  	_ =	shalt  }
0x68: {  	_ =	shalt  }
0x69: {  	_ =	shalt  }
0x6a: {  	_ =	shalt  }
0x6b: {  	_ =	shalt  }
0x6c: {  	_ =	shalt  }
0x6d: {  	_ =	shalt  }
0x6e: {  	_ =	shalt  }
0x6f: {  	_ =	shalt  }
0x70: {  	_ =	shalt  }
0x71: {  	_ =	shalt  }
0x72: {  	_ =	shalt  }
0x73: {  	_ =	shalt  }
0x74: {  	_ =	shalt  }
0x75: {  	_ =	shalt  }
0x76: {  	_ =	shalt  }
0x77: {  	_ =	shalt  }
0x78: {  	_ =	shalt  }
0x79: {  	_ =	shalt  }
0x7a: {  	_ =	shalt  }
0x7b: {  	_ =	shalt  }
0x7c: {  	_ =	shalt  }
0x7d: {  	_ =	shalt  }
0x7e: {  	_ =	shalt  }
0x7f: {  	_ =	shalt  }
0x80: {  	_ =	shalt  }
0x81: {  	_ =	shalt  }
0x82: {  	_ =	shalt  }
0x83: {  	_ =	shalt  }
0x84: {  	_ =	shalt  }
0x85: {  	_ =	shalt  }
0x86: {  	_ =	shalt  }
0x87: {  	_ =	shalt  }
.Lfunc_end0:
.L_simem_size_0:
called_computation.1_lowered:
.L_overlay_start_0:
0x88: {  	s2 =	sld [smem:$0x3FD9]  }
0x89: {  	s3 =	sld [smem:$0x3FFE];
	_ =	sdelay $0x1  }
0x8a: {  	s1 =	srdreg.scid  }
0x8b: {  	s0 =	sand.u32 $0x1, s1  }
0x8c: {  	s17 =	sshll.u32 s0, $0xA;
	s2 =	sadd.s32 s3, s2  }
0x8d: {  	s2 =	sadd.s32 s2, s17  }
0x8e: {  	[smem:$0x3FC6] =	sst s2  }
0x8f: {  	_ = 	snop  }
0x90: {  	s2 =	sld [smem:$0x3FD0];
	(tm) =	ssettm $0x1  }
0x91: {  	s18 =	sld [smem:$0x3FFB];
	_ =	sdelay $0x3  }
0x92: {  	_ =	strace s18  }
0x93: {  	s3 =	sld [smem:$0x3FFC];
	_ =	sdelay $0x3  }
0x94: {  	_ =	strace s3  }
0x95: {  	s3 =	sld [smem:$0x3FFD];
	_ =	sdelay $0x3  }
0x96: {  	_ =	strace s3  }
0x97: {  	_ =	strace $0x8FFFFFFF  }
0x98: {  	s19 =	sld [smem:$0x3FDB];
	_ =	sdelay $0x1  }
0x99: {  	s4 =	simm.s32 $_scs_section_size  }
0x9a: {  	s5 =	simm.s32 $_size__tile_overlayer_lowered;
	s6 =	simm.s32 $_tile_overlayer_lowered  }
0x9b: {  	s22 =	simm.s32 $0x1BFF;
	s21 =	sshll.u32 s6, $0x1;
	s3 =	sadd.s32 s4, s19  }
0x9c: {  	s7 =	simm.s32 $0x0;
	s20 =	sshll.u32 s5, $0x1;
	s5 =	sadd.s32 s21, s3  }
0x9d: {  	[timem:s7], [sflag:s22] =	dma.local [hbm:s5], s20  }
0x9e: {  	_ =	swait.ge [sflag:s22], s20  }
0x9f: {  	s4 =	ssub.s32 $0x0, s20;
	[sflag:s22] =	ssyncset.done $0x0  }
0xa0: {  	[sflag:s22] =	ssyncadd.s32 s4;
	_ =	sdelay $0x1  }
0xa1: {  	s23 =	simm.s32 $0x1B8B  }
0xa2: {  	_ =	swait.ge [sflag:s23], $0x1  }
0xa3: {  	[sflag:s23] =	ssyncset.done $0x0  }
0xa4: {  	s25 =	simm.s32 $0x1B8E;
	s24 =	sld [smem:$0x3FFE];
	[sflag:s23] =	ssyncadd.s32 $0xFFFFFFFF  }
0xa5: {  	s26 =	simm.s32 $execute0_lowered;
	[smem:$0x3FD2] =	sst s25  }
0xa6: {  	s5 =	sshll.u32 s26, $0x1;
	_ =	strace $0x80000049;
	[dreg:$0x1] =	wrdreg $0xFFFFFFFF  }
0xa7: {  	s28 =	simm.s32 $_size_execute0_lowered;
	s3 =	sadd.s32 s3, s5;
	[dreg:$0x0] =	wrdreg $0x0  }
0xa8: {  	s5 =	sshll.u32 s28, $0x1;
	[dreg:$0x2] =	wrdreg s3  }
0xa9: {  	[dreg:$0x3] =	wrdreg s5  }
0xaa: {  	[dreg:$0x4] =	wrdreg $0xC0  }
0xab: {  	_ =	task [dreg:s7], $0x5FFFF  }
0xac: {  	[dreg:$0x1] =	wrdreg $0xFFFFFFFF  }
0xad: {  	[dreg:$0x0] =	wrdreg $0x60  }
0xae: {  	[dreg:$0x2] =	wrdreg s24  }
0xaf: {  	[dreg:$0x3] =	wrdreg s2  }
0xb0: {  	[dreg:$0x4] =	wrdreg $0x80000  }
0xb1: {  	[dreg:$0x5] =	wrdreg $0x9  }
0xb2: {  	_ =	task.clear_ibuf [dreg:s7], $0x6FFFF;
	_ =	strace $0x90000049  }
0xb3: {  	s29 =	simm.s32 $0x9;
	_ =	strace $0x8000004B  }
0xb4: {  	_ =	swait.ge [sflag:s29], $0x1  }
0xb5: {  	[sflag:s29] =	ssyncadd.s32 $0xFFFFFFFF  }
0xb6: {  	_ =	strace $0x9000004B  }
0xb7: {  	_ =	sfence  }
0xb8: {  	s30 =	sld [smem:$0x0];
	_ =	sdelay $0x2  }
0xb9: {  	s31 =	sshll.u32 s1, $0xD;
	s1 =	sshrl.u32 s1, $0x2  }
0xba: {  	s3 =	sand.u32 $0x4000, s31;
	s1 =	sadd.s32 s1, s30  }
0xbb: {  	s0 =	sor.u32 s3, s0;
	s1 =	sshll.u32 s1, $0x11  }
0xbc: {  	s0 =	sor.u32 s1, s0  }
0xbd: {  	s0 =	sadd.s32 $0x8F2B, s0  }
0xbe: {  	[sflag:s0] =	ssyncadd.remote.s32 $0x1  }
0xbf: {  	_ =	sfence.sel $0xFFFF  }
0xc0: {  	[dreg:$0x0] =	wrdreg $0xFFFFFFFF;
	(pc) =	sbr.abs _section_cstart, $3  }
0xc1: {  	[dreg:$0x1] =	wrdreg $0xFFFFFFFF  }
0xc2: {  	_ =	task.clear_ibuf [dreg:s7], $0x2FFFF;
	_ =	strace $0x9FFFFFFF  }
0xc3: {  	(tm) =	ssettm $0x7FFFFFFF  }
tec
execute0_lowered:
.L_overlay_start_1:
0x0: {  	(tag) =	ssettag $0x1  }
0x1: {  	s5 =	rddreg [dreg:$0x0]  }
0x2: {  	s11 =	rddreg [dreg:$0x1]  }
0x3: {  	s2 =	rddreg [dreg:$0x2]  }
0x4: {  	s0 =	rddreg [dreg:$0x3]  }
0x5: {  	s1 =	stileid.u32;
	s4 =	srdreg.scid;
	s3 =	simm.s32 $0x0  }
0x6: {  	s17 =	simm.s32 $0x4000;
	s18 =	simm.s32 $0x1;
	s19 =	simm.s32 $0x0  }
0x7: {  	s6 =	smul.u32 $0x14000, s1;
	s7 =	sand.u32 $0x1, s4;
	[smem:$0x7FF] =	sst s3  }
0x8: {  	s4 =	sadd.s32 $0x16A00, s5;
	s10 =	sadd.s32 $0xC600, s5;
	s12 =	smul.u32 $0x50000, s1  }
0x9: {  	s30 =	sshll.u32 s1, $0x6;
	s31 =	sshll.u32 s1, $0x5;
	s8 =	smul.u32 $0x140000, s7  }
0xa: {  	_ =	strace $0x8000004A;
	s26 =	ssub.s32 $0x2, s7;
	p0 =	seq.s32 s7, $0x0  }
0xb: {  	s16 =	sor.u32 $0x810, s31;
	s7 =	simm.s32 $0x40;
	s9 =	sshrl.u32 s6, $0x3  }
0xc: {  	s28 =	sshrl.u32 s26, $0x1;
	s29 =	sshrl.u32 s12, $0x2;
	s7 =	simm.s32 @!p0 $0x10  }
0xd: {  	s6 =	sadd.s32 s6, s8;
	s9 =	sadd.s32 s9, s5;
	s8 =	sshll.u32 s1, $0x7  }
0xe: {  	s14 =	ssub.s32 s26, s28;
	s6 =	sshrl.u32 s6, $0x3;
	s12 =	sor.u32 $0x40, s8  }
0xf: {  	s13 =	sadd.s32 s6, s5;
	s5 =	sadd.s32 $0x3EA00, s9;
	s9 =	sor.u32 $0x800, s31  }
0x10: {  	s15 =	sadd.s32 s29, s2;
	s16 =	smov.u32 @p0 s12;
	s9 =	smov.u32 @p0 s8  }
0x11: {  	s6 =	sor.u32 $0x1C02, s30;
	s12 =	sshll.u32 s16, $0x4;
	s9 =	sshll.u32 s9, $0x4  }
0x12: {  	s16 =	simm.s32 $0x80;
	s8 =	sadd.s32 s10, s9;
	s9 =	sadd.s32 s11, s9  }
0x13: {  	s10 =	sadd.s32 s10, s12;
	s11 =	sadd.s32 s11, s12;
	s12 =	sadd.s32 $0x66A00, s13  }
0x14: {  	s13 =	smax.u32 s14, $0x1;
	s14 =	sshrl.u32 s15, $0x3;
	s15 =	simm.s32 $0x2  }
.LBB2_1:
0x15: {  	[spmem:s14], [sflag:s6] =	dma.local [hbm:s5], $0x2800  }
0x16: {  	_ =	swait.ge [sflag:s15], $0x2800  }
0x17: {  	[sflag:s15] =	ssyncset.done $0x0  }
0x18: {  	[sflag:s15] =	ssyncadd.s32 $0xFFFFD800  }
0x19: {  	[bflag:$0x0] =	sbarrier.arrive $0xFFFF  }
0x1a: {  	[tilespmem:s3], [sflag:$0x2] =	stream.linear.gather [hbm4b:s8+s3], $0x2000, $0x38;
	[tilespmem:$0x1C000] =	vst v63  }
0x1b: {  	_ =	swait.ge [sflag:s15], $0x2000  }
0x1c: {  	[sflag:s15] =	ssyncset.done $0x0  }
0x1d: {  	s20 =	simm.s32 $0x2000;
	[sflag:s15] =	ssyncadd.s32 $0xFFFFE000  }
0x1e: {  	[tilespmem:s20], [sflag:$0x2] =	stream.linear.gather [hbm4b:s9+s3], $0x2000, $0x38;
	[tilespmem:$0x1C000] =	vst v63  }
0x1f: {  	_ =	swait.ge [sflag:s15], $0x2000  }
0x20: {  	[sflag:s15] =	ssyncset.done $0x0  }
0x21: {  	[sflag:s15] =	ssyncadd.s32 $0xFFFFE000  }
0x22: {  	[tilespmem:s17], [sflag:$0x1] =	stream.indirect.gather [hbm4b:s4+s16], $0x80, s3, s16, $0xb8;
	[tilespmem:$0x1C000] =	vst v63  }
0x23: {  	p0 =	sne.s32 s7, $0x1;
	_ =	swait.ge [sflag:s18], $0x4000  }
.Ltmp0:
0x24: {  	[sflag:s18] =	ssyncset.done $0x0;
	(pc) =	sbr.rel @!p0 .LBB2_3-.Ltmp0, $4  }
0x25: {  	[sflag:s18] =	ssyncadd.s32 $0xFFFFC000  }
0x26: {  	[spmem:s2] =	stream.indirect.scatter.add.f32 [tilespmem:s17], [sflag:$0x2], $0x80, s20, s16, $0xb8;
	[tilespmem:$0x1C000] =	vst v63  }
0x27: {  	s21 =	sadd.s32 $0xFFFFFFFF, s7;
	_ =	swait.ge [sflag:s15], $0x4000  }
0x28: {  	s22 =	simm.s32 $0x0;
	s23 =	simm.s32 $0x2000;
	[sflag:s15] =	ssyncset.done $0x0  }
.LBB2_2:
0x29: {  	[sflag:s15] =	ssyncadd.s32 $0xFFFFC000;
	s22 =	sadd.s32 $0x80, s22;
	s23 =	sadd.s32 $0x80, s23  }
0x2a: {  	[tilespmem:s17], [sflag:$0x1] =	stream.indirect.gather [hbm4b:s4+s16], $0x80, s22, s16, $0xb8;
	[tilespmem:$0x1C000] =	vst v63  }
0x2b: {  	p1 =	sne.s32 s21, $0x1;
	s21 =	sadd.s32 $0xFFFFFFFF, s21;
	_ =	swait.ge [sflag:s18], $0x4000  }
.Ltmp1:
0x2c: {  	[sflag:s18] =	ssyncset.done $0x0;
	(pc) =	sbr.rel @p1 .LBB2_2-.Ltmp1, $4  }
0x2d: {  	[sflag:s18] =	ssyncadd.s32 $0xFFFFC000  }
0x2e: {  	[spmem:s2] =	stream.indirect.scatter.add.f32 [tilespmem:s17], [sflag:$0x2], $0x80, s23, s16, $0xb8;
	[tilespmem:$0x1C000] =	vst v63  }
0x2f: {  	_ =	swait.ge [sflag:s15], $0x4000  }
0x30: {  	[sflag:s15] =	ssyncset.done $0x0  }
.LBB2_3:
0x31: {  	[sflag:s15] =	ssyncadd.s32 $0xFFFFC000;
	s21 =	simm.s32 $0x0  }
0x32: {  	[tilespmem:s21], [sflag:$0x2] =	stream.linear.gather [hbm4b:s10+s21], $0x2000, $0x38;
	[tilespmem:$0x1C000] =	vst v63  }
0x33: {  	_ =	swait.ge [sflag:s15], $0x2000  }
0x34: {  	[sflag:s15] =	ssyncset.done $0x0  }
0x35: {  	[sflag:s15] =	ssyncadd.s32 $0xFFFFE000  }
0x36: {  	[tilespmem:s20], [sflag:$0x2] =	stream.linear.gather [hbm4b:s11+s21], $0x2000, $0x38;
	[tilespmem:$0x1C000] =	vst v63  }
0x37: {  	_ =	swait.ge [sflag:s15], $0x2000  }
0x38: {  	[sflag:s15] =	ssyncset.done $0x0  }
0x39: {  	[sflag:s15] =	ssyncadd.s32 $0xFFFFE000  }
0x3a: {  	[tilespmem:s17], [sflag:$0x1] =	stream.indirect.gather [hbm4b:s4+s16], $0x80, s21, s16, $0xb8;
	[tilespmem:$0x1C000] =	vst v63  }
0x3b: {  	_ =	swait.ge [sflag:s18], $0x4000  }
.Ltmp2:
0x3c: {  	[sflag:s18] =	ssyncset.done $0x0;
	(pc) =	sbr.rel @!p0 .LBB2_5-.Ltmp2, $4  }
0x3d: {  	[sflag:s18] =	ssyncadd.s32 $0xFFFFC000  }
0x3e: {  	[spmem:s2] =	stream.indirect.scatter.add.f32 [tilespmem:s17], [sflag:$0x2], $0x80, s20, s16, $0xb8;
	[tilespmem:$0x1C000] =	vst v63  }
0x3f: {  	_ =	swait.ge [sflag:s15], $0x4000  }
0x40: {  	s22 =	sadd.s32 $0xFFFFFFFF, s7;
	[sflag:s15] =	ssyncset.done $0x0  }
.LBB2_4:
0x41: {  	[sflag:s15] =	ssyncadd.s32 $0xFFFFC000;
	s21 =	sadd.s32 $0x80, s21;
	s20 =	sadd.s32 $0x80, s20  }
0x42: {  	[tilespmem:s17], [sflag:$0x1] =	stream.indirect.gather [hbm4b:s4+s16], $0x80, s21, s16, $0xb8;
	[tilespmem:$0x1C000] =	vst v63  }
0x43: {  	p0 =	sne.s32 s22, $0x1;
	s22 =	sadd.s32 $0xFFFFFFFF, s22;
	_ =	swait.ge [sflag:s18], $0x4000  }
.Ltmp3:
0x44: {  	[sflag:s18] =	ssyncset.done $0x0;
	(pc) =	sbr.rel @p0 .LBB2_4-.Ltmp3, $4  }
0x45: {  	[sflag:s18] =	ssyncadd.s32 $0xFFFFC000  }
0x46: {  	[spmem:s2] =	stream.indirect.scatter.add.f32 [tilespmem:s17], [sflag:$0x2], $0x80, s20, s16, $0xb8;
	[tilespmem:$0x1C000] =	vst v63  }
0x47: {  	_ =	swait.ge [sflag:s15], $0x4000  }
0x48: {  	[sflag:s15] =	ssyncset.done $0x0  }
.LBB2_5:
0x49: {  	s19 =	sadd.s32 $0x1, s19  }
0x4a: {  	[sflag:s15] =	ssyncadd.s32 $0xFFFFC000;
	p0 =	sne.s32 s19, s13  }
.Ltmp4:
0x4b: {  	[bflag:$0x0] =	sbarrier.arrive $0xFFFF;
	(pc) =	sbr.rel @p0 .LBB2_1-.Ltmp4, $4  }
0x4c: {  	[hbm:s12], [sflag:s6] =	dma.local [spmem:s14], $0x2800  }
0x4d: {  	_ =	swait.ge [sflag:s15], $0x2800  }
0x4e: {  	[sflag:s15] =	ssyncset.done $0x0  }
0x4f: {  	[sflag:s15] =	ssyncadd.s32 $0xFFFFD800  }
0x50: {  	_ =	sfence.sel $0x180000  }
0x51: {  	[bflag:$0x0] =	sbarrier.arrive $0xFFFF  }
0x52: {  	p0 =	sne.s32 s1, $0x0;
	_ =	strace $0x9000004A  }
0x53: {  	s0 =	sadd.s32 @!p0 $0x100000, s0;
	[bflag:$0x2] =	sbarrier.arrive $0xFFFF  }
0x54: {  	[sflag:s0] =	ssyncadd.tile.s32 @!p0 $0x1;
	_ =	shalt  }
.Lfunc_end2:
_tile_overlayer_lowered:
.L_overlay_start_2:
0x55: {  	(tag) =	ssettag $0x2  }
0x56: {  	s0 =	rddreg [dreg:$0x0];
	s2 =	stileid.u32  }
0x57: {  	s1 =	rddreg [dreg:$0x1];
	p0 =	sne.s32 s2, $0x0  }
0x58: {  	s3 =	rddreg [dreg:$0x2];
	[bflag:$0x3] =	sbarrier.arrive $0xFFFF;
	s2 =	simm.s32 @!p0 $0x1C02  }
0x59: {  	[timem:s3], [sflag:s2] =	dma.local @!p0 [hbm:s0], s1  }
0x5a: {  	s0 =	simm.s32 @!p0 $0x2  }
0x5b: {  	_ =	swait.ge @!p0 [sflag:s0], s1  }
0x5c: {  	s1 =	ssub.s32 @!p0 $0x0, s1;
	[sflag:s0] =	ssyncset.done @!p0 $0x0  }
0x5d: {  	[sflag:s0] =	ssyncadd.s32 @!p0 s1  }
0x5e: {  	[bflag:$0x3] =	sbarrier.arrive $0xFFFF  }
0x5f: {  	_ =	shalt  }

// kernel: kernel.15.cloned.1.call-start
scs
__scs_entry_jumppad:
0x0: {  	(pc) =	sbr.rel $0x88, $3  }
0x1: {  	(tag) =	ssettag $0x0;
	lr =	simm.s32 $0x1  }
0x2: {  	[smem:$0x3F9F] =	sst lr;
	_ =	strace $0xD0000000  }
0x3: {  	_ = 	snop  }
0x4: {  	_ = 	snop  }
0x5: {  	_ = 	snop  }
0x6: {  	_ = 	snop  }
0x7: {  	_ = 	snop  }
__scs_overlays_trampoline_lowered:
0x8: {  	[smem:$0x3FAE] =	sst s0  }
0x9: {  	[smem:$0x3FAF] =	sst s1  }
0xa: {  	[smem:$0x3FB0] =	sst s2  }
0xb: {  	[smem:$0x3FB1] =	sst s3  }
0xc: {  	[smem:$0x3FB2] =	sst s4  }
0xd: {  	[smem:$0x3FB3] =	sst s5  }
0xe: {  	[smem:$0x3FB4] =	sst s6  }
0xf: {  	[smem:$0x3FB5] =	sst s7  }
0x10: {  	[smem:$0x3FB6] =	sst s8  }
0x11: {  	[smem:$0x3FB7] =	sst s9;
	s0 =	simm.s32 @!p0 $0x0  }
0x12: {  	s1 =	sld [smem:$0x3F9D];
	s0 =	simm.s32 @p0 $0x1  }
0x13: {  	[smem:$0x3FB8] =	sst s0;
	s0 =	simm.s32 @!p1 $0x0  }
0x14: {  	s2 =	sld [smem:$0x3F9C];
	s0 =	simm.s32 @p1 $0x1  }
0x15: {  	[smem:$0x3FB9] =	sst s0;
	s0 =	simm.s32 @!p2 $0x0  }
0x16: {  	s3 =	sld [smem:$0x3FDB];
	s0 =	simm.s32 @p2 $0x1  }
0x17: {  	s4 =	simm.s32 $0x1BF5;
	[smem:$0x3FBB] =	sst s0  }
0x18: {  	s0 =	sld [smem:$0x3F9E];
	_ =	swait.ge [sflag:s4], $0x0  }
0x19: {  	s7 =	sld [smem:$0x3F9F]  }
0x1a: {  	s8 =	sadd.s32 $0xFFFFE003, lr  }
0x1b: {  	s9 =	sadd.s32 $0xFFFFFEF7, lr;
	s5 =	simm.s32 $0xFFFFFFFF;
	p2 =	slt.u32 s8, $0xFFFFF086  }
0x1c: {  	p1 =	slt.u32 s9, $0xF7A;
	s5 =	simm.s32 @!p2 $0x0  }
0x1d: {  	s5 =	simm.s32 @p1 $0x1;
	p0 =	seq.s32 s7, s2  }
0x1e: {  	s7 =	smul.u32 @!p0 $0xF7A, s2;
	p2 =	seq.s32 @!p0 s5, $0x0  }
0x1f: {  	s9 =	smul.u32 $0xF7A, s1;
	s8 =	simm.s32 @!p0 $0x1BF5;
	p2 =	por !p2, p0  }
0x20: {  	[sflag:s8] =	ssyncset.s32 @!p0 $0xFFFFF086;
	s6 =	sadd.s32 @!p0 s3, s7;
	s7 =	simm.s32 @!p0 $0x108  }
0x21: {  	s3 =	sadd.s32 s3, s9;
	s6 =	sadd.s32 @!p0 $0x88, s6;
	s7 =	simm.s32 @p2 $0x1082  }
0x22: {  	[simem:s7], [sflag:s8] =	dma.local @!p0 [hbm:s6], $0xF7A  }
0x23: {  	s9 =	sor.u32 $0xD0000000, s2;
	s6 =	simm.s32 $0x108;
	_ =	swait.ge @!p0 [sflag:s8], $0x0  }
0x24: {  	s3 =	sadd.s32 $0x88, s3;
	s6 =	simm.s32 @!p1 $0x1082;
	[sflag:s4] =	ssyncset.s32 $0xFFFFF086  }
0x25: {  	[simem:s6], [sflag:s4] =	dma.local [hbm:s3], $0xF7A  }
0x26: {  	[smem:$0x3F9F] =	sst s1;
	(tag) =	ssettag s2;
	_ =	strace s9  }
0x27: {  	s1 =	sld [smem:$0x3FAF]  }
0x28: {  	s2 =	sld [smem:$0x3FB0]  }
0x29: {  	s4 =	sld [smem:$0x3FB2]  }
0x2a: {  	p0 =	seq.s32 s5, $0x0;
	s5 =	sld [smem:$0x3FB3]  }
0x2b: {  	s6 =	sld [smem:$0x3FB4]  }
0x2c: {  	s7 =	sld [smem:$0x3FB5]  }
0x2d: {  	s3 =	simm.s32 $0x108;
	s8 =	sld [smem:$0x3FB6]  }
0x2e: {  	s3 =	simm.s32 @!p0 $0x1082;
	s9 =	sld [smem:$0x3FB7]  }
0x2f: {  	lr =	sadd.s32 s0, s3;
	s0 =	sld [smem:$0x3FAE]  }
0x30: {  	s3 =	sld [smem:$0x3FB1]  }
0x31: {  	[smem:$0x3FBA] =	sst s10  }
0x32: {  	s10 =	sld [smem:$0x3FB8];
	_ =	sdelay $0x3  }
0x33: {  	p0 =	seq.s32 s10, $0x1;
	s10 =	sld [smem:$0x3FBA];
	_ =	sdelay $0x3  }
0x34: {  	[smem:$0x3FBA] =	sst s10  }
0x35: {  	s10 =	sld [smem:$0x3FB9];
	_ =	sdelay $0x3  }
0x36: {  	p1 =	seq.s32 s10, $0x1;
	s10 =	sld [smem:$0x3FBA];
	_ =	sdelay $0x3  }
0x37: {  	[smem:$0x3FBA] =	sst s10  }
0x38: {  	s10 =	sld [smem:$0x3FBB]  }
0x39: {  	_ = 	snop;
	(pc) =	sbr.ind lr, $3  }
0x3a: {  	_ = 	snop  }
0x3b: {  	_ = 	snop  }
0x3c: {  	p2 =	seq.s32 s10, $0x1;
	s10 =	sld [smem:$0x3FBA]  }
0x3d: {  	_ =	shalt  }
0x3e: {  	_ =	shalt  }
0x3f: {  	_ =	shalt  }
0x40: {  	_ =	shalt  }
0x41: {  	_ =	shalt  }
0x42: {  	_ =	shalt  }
0x43: {  	_ =	shalt  }
0x44: {  	_ =	shalt  }
0x45: {  	_ =	shalt  }
0x46: {  	_ =	shalt  }
0x47: {  	_ =	shalt  }
0x48: {  	_ =	shalt  }
0x49: {  	_ =	shalt  }
0x4a: {  	_ =	shalt  }
0x4b: {  	_ =	shalt  }
0x4c: {  	_ =	shalt  }
0x4d: {  	_ =	shalt  }
0x4e: {  	_ =	shalt  }
0x4f: {  	_ =	shalt  }
0x50: {  	_ =	shalt  }
0x51: {  	_ =	shalt  }
0x52: {  	_ =	shalt  }
0x53: {  	_ =	shalt  }
0x54: {  	_ =	shalt  }
0x55: {  	_ =	shalt  }
0x56: {  	_ =	shalt  }
0x57: {  	_ =	shalt  }
0x58: {  	_ =	shalt  }
0x59: {  	_ =	shalt  }
0x5a: {  	_ =	shalt  }
0x5b: {  	_ =	shalt  }
0x5c: {  	_ =	shalt  }
0x5d: {  	_ =	shalt  }
0x5e: {  	_ =	shalt  }
0x5f: {  	_ =	shalt  }
0x60: {  	_ =	shalt  }
0x61: {  	_ =	shalt  }
0x62: {  	_ =	shalt  }
0x63: {  	_ =	shalt  }
0x64: {  	_ =	shalt  }
0x65: {  	_ =	shalt  }
0x66: {  	_ =	shalt  }
0x67: {  	_ =	shalt  }
0x68: {  	_ =	shalt  }
0x69: {  	_ =	shalt  }
0x6a: {  	_ =	shalt  }
0x6b: {  	_ =	shalt  }
0x6c: {  	_ =	shalt  }
0x6d: {  	_ =	shalt  }
0x6e: {  	_ =	shalt  }
0x6f: {  	_ =	shalt  }
0x70: {  	_ =	shalt  }
0x71: {  	_ =	shalt  }
0x72: {  	_ =	shalt  }
0x73: {  	_ =	shalt  }
0x74: {  	_ =	shalt  }
0x75: {  	_ =	shalt  }
0x76: {  	_ =	shalt  }
0x77: {  	_ =	shalt  }
0x78: {  	_ =	shalt  }
0x79: {  	_ =	shalt  }
0x7a: {  	_ =	shalt  }
0x7b: {  	_ =	shalt  }
0x7c: {  	_ =	shalt  }
0x7d: {  	_ =	shalt  }
0x7e: {  	_ =	shalt  }
0x7f: {  	_ =	shalt  }
0x80: {  	_ =	shalt  }
0x81: {  	_ =	shalt  }
0x82: {  	_ =	shalt  }
0x83: {  	_ =	shalt  }
0x84: {  	_ =	shalt  }
0x85: {  	_ =	shalt  }
0x86: {  	_ =	shalt  }
0x87: {  	_ =	shalt  }
.Lfunc_end0:
.L_simem_size_0:
called_computation.2_lowered:
.L_overlay_start_0:
0x88: {  	s2 =	sld [smem:$0x3FD9]  }
0x89: {  	s3 =	sld [smem:$0x3FFE];
	_ =	sdelay $0x1  }
0x8a: {  	s1 =	srdreg.scid  }
0x8b: {  	s0 =	sand.u32 $0x1, s1  }
0x8c: {  	s17 =	sshll.u32 s0, $0xA;
	s2 =	sadd.s32 s3, s2  }
0x8d: {  	s2 =	sadd.s32 s2, s17  }
0x8e: {  	[smem:$0x3FC6] =	sst s2  }
0x8f: {  	_ = 	snop  }
0x90: {  	s2 =	sld [smem:$0x3FD0];
	(tm) =	ssettm $0x1  }
0x91: {  	s18 =	sld [smem:$0x3FFB];
	_ =	sdelay $0x3  }
0x92: {  	_ =	strace s18  }
0x93: {  	s3 =	sld [smem:$0x3FFC];
	_ =	sdelay $0x3  }
0x94: {  	_ =	strace s3  }
0x95: {  	s3 =	sld [smem:$0x3FFD];
	_ =	sdelay $0x3  }
0x96: {  	_ =	strace s3  }
0x97: {  	_ =	strace $0x8FFFFFFF  }
0x98: {  	s19 =	sld [smem:$0x3FDB];
	_ =	sdelay $0x1  }
0x99: {  	s4 =	simm.s32 $_scs_section_size  }
0x9a: {  	s5 =	simm.s32 $_size__tile_overlayer_lowered;
	s6 =	simm.s32 $_tile_overlayer_lowered  }
0x9b: {  	s22 =	simm.s32 $0x1BFF;
	s21 =	sshll.u32 s6, $0x1;
	s3 =	sadd.s32 s4, s19  }
0x9c: {  	s7 =	simm.s32 $0x0;
	s20 =	sshll.u32 s5, $0x1;
	s5 =	sadd.s32 s21, s3  }
0x9d: {  	[timem:s7], [sflag:s22] =	dma.local [hbm:s5], s20  }
0x9e: {  	_ =	swait.ge [sflag:s22], s20  }
0x9f: {  	s4 =	ssub.s32 $0x0, s20;
	[sflag:s22] =	ssyncset.done $0x0  }
0xa0: {  	[sflag:s22] =	ssyncadd.s32 s4;
	_ =	sdelay $0x1  }
0xa1: {  	s23 =	simm.s32 $0x1B8B  }
0xa2: {  	_ =	swait.ge [sflag:s23], $0x1  }
0xa3: {  	[sflag:s23] =	ssyncset.done $0x0  }
0xa4: {  	s25 =	simm.s32 $0x1B8E;
	s24 =	sld [smem:$0x3FFE];
	[sflag:s23] =	ssyncadd.s32 $0xFFFFFFFF  }
0xa5: {  	s26 =	simm.s32 $execute0_lowered;
	[smem:$0x3FD2] =	sst s25  }
0xa6: {  	s5 =	sshll.u32 s26, $0x1;
	_ =	strace $0x8000004C;
	[dreg:$0x1] =	wrdreg $0xFFFFFFFF  }
0xa7: {  	s28 =	simm.s32 $_size_execute0_lowered;
	s3 =	sadd.s32 s3, s5;
	[dreg:$0x0] =	wrdreg $0x0  }
0xa8: {  	s5 =	sshll.u32 s28, $0x1;
	[dreg:$0x2] =	wrdreg s3  }
0xa9: {  	[dreg:$0x3] =	wrdreg s5  }
0xaa: {  	[dreg:$0x4] =	wrdreg $0xC0  }
0xab: {  	_ =	task [dreg:s7], $0x5FFFF  }
0xac: {  	[dreg:$0x1] =	wrdreg $0xFFFFFFFF  }
0xad: {  	[dreg:$0x0] =	wrdreg $0x60  }
0xae: {  	[dreg:$0x2] =	wrdreg s24  }
0xaf: {  	[dreg:$0x3] =	wrdreg s2  }
0xb0: {  	[dreg:$0x4] =	wrdreg $0x80000  }
0xb1: {  	[dreg:$0x5] =	wrdreg $0x9  }
0xb2: {  	_ =	task.clear_ibuf [dreg:s7], $0x6FFFF;
	_ =	strace $0x9000004C  }
0xb3: {  	s29 =	simm.s32 $0x9;
	_ =	strace $0x8000004E  }
0xb4: {  	_ =	swait.ge [sflag:s29], $0x1  }
0xb5: {  	[sflag:s29] =	ssyncadd.s32 $0xFFFFFFFF  }
0xb6: {  	_ =	strace $0x9000004E  }
0xb7: {  	_ =	sfence  }
0xb8: {  	s30 =	sld [smem:$0x0];
	_ =	sdelay $0x2  }
0xb9: {  	s31 =	sshll.u32 s1, $0xD;
	s1 =	sshrl.u32 s1, $0x2  }
0xba: {  	s3 =	sand.u32 $0x4000, s31;
	s1 =	sadd.s32 s1, s30  }
0xbb: {  	s0 =	sor.u32 s3, s0;
	s1 =	sshll.u32 s1, $0x11  }
0xbc: {  	s0 =	sor.u32 s1, s0  }
0xbd: {  	s0 =	sadd.s32 $0x8F2B, s0  }
0xbe: {  	[sflag:s0] =	ssyncadd.remote.s32 $0x1  }
0xbf: {  	_ =	sfence.sel $0xFFFF  }
0xc0: {  	[dreg:$0x0] =	wrdreg $0xFFFFFFFF;
	(pc) =	sbr.abs _section_cstart, $3  }
0xc1: {  	[dreg:$0x1] =	wrdreg $0xFFFFFFFF  }
0xc2: {  	_ =	task.clear_ibuf [dreg:s7], $0x2FFFF;
	_ =	strace $0x9FFFFFFF  }
0xc3: {  	(tm) =	ssettm $0x7FFFFFFF  }
tec
execute0_lowered:
.L_overlay_start_1:
0x0: {  	(tag) =	ssettag $0x1  }
0x1: {  	s5 =	rddreg [dreg:$0x0]  }
0x2: {  	s11 =	rddreg [dreg:$0x1]  }
0x3: {  	s2 =	rddreg [dreg:$0x2]  }
0x4: {  	s0 =	rddreg [dreg:$0x3]  }
0x5: {  	s1 =	stileid.u32;
	s4 =	srdreg.scid;
	s3 =	simm.s32 $0x0  }
0x6: {  	s17 =	simm.s32 $0x4000;
	s18 =	simm.s32 $0x1;
	s19 =	simm.s32 $0x0  }
0x7: {  	s6 =	smul.u32 $0x14000, s1;
	s7 =	sand.u32 $0x1, s4;
	[smem:$0x7FF] =	sst s3  }
0x8: {  	s4 =	sadd.s32 $0x16A00, s5;
	s10 =	sadd.s32 $0xC600, s5;
	s12 =	smul.u32 $0x50000, s1  }
0x9: {  	s30 =	sshll.u32 s1, $0x6;
	s31 =	sshll.u32 s1, $0x5;
	s8 =	smul.u32 $0x140000, s7  }
0xa: {  	_ =	strace $0x8000004D;
	s26 =	ssub.s32 $0x2, s7;
	p0 =	seq.s32 s7, $0x0  }
0xb: {  	s16 =	sor.u32 $0x810, s31;
	s7 =	simm.s32 $0x40;
	s9 =	sshrl.u32 s6, $0x3  }
0xc: {  	s28 =	sshrl.u32 s26, $0x1;
	s29 =	sshrl.u32 s12, $0x2;
	s7 =	simm.s32 @!p0 $0x10  }
0xd: {  	s6 =	sadd.s32 s6, s8;
	s9 =	sadd.s32 s9, s5;
	s8 =	sshll.u32 s1, $0x7  }
0xe: {  	s14 =	ssub.s32 s26, s28;
	s6 =	sshrl.u32 s6, $0x3;
	s12 =	sor.u32 $0x40, s8  }
0xf: {  	s13 =	sadd.s32 s6, s5;
	s5 =	sadd.s32 $0x3EA00, s9;
	s9 =	sor.u32 $0x800, s31  }
0x10: {  	s15 =	sadd.s32 s29, s2;
	s16 =	smov.u32 @p0 s12;
	s9 =	smov.u32 @p0 s8  }
0x11: {  	s6 =	sor.u32 $0x1C02, s30;
	s12 =	sshll.u32 s16, $0x4;
	s9 =	sshll.u32 s9, $0x4  }
0x12: {  	s16 =	simm.s32 $0x80;
	s8 =	sadd.s32 s10, s9;
	s9 =	sadd.s32 s11, s9  }
0x13: {  	s10 =	sadd.s32 s10, s12;
	s11 =	sadd.s32 s11, s12;
	s12 =	sadd.s32 $0x66A00, s13  }
0x14: {  	s13 =	smax.u32 s14, $0x1;
	s14 =	sshrl.u32 s15, $0x3;
	s15 =	simm.s32 $0x2  }
.LBB2_1:
0x15: {  	[spmem:s14], [sflag:s6] =	dma.local [hbm:s5], $0x2800  }
0x16: {  	_ =	swait.ge [sflag:s15], $0x2800  }
0x17: {  	[sflag:s15] =	ssyncset.done $0x0  }
0x18: {  	[sflag:s15] =	ssyncadd.s32 $0xFFFFD800  }
0x19: {  	[bflag:$0x0] =	sbarrier.arrive $0xFFFF  }
0x1a: {  	[tilespmem:s3], [sflag:$0x2] =	stream.linear.gather [hbm4b:s8+s3], $0x2000, $0x38;
	[tilespmem:$0x1C000] =	vst v63  }
0x1b: {  	_ =	swait.ge [sflag:s15], $0x2000  }
0x1c: {  	[sflag:s15] =	ssyncset.done $0x0  }
0x1d: {  	s20 =	simm.s32 $0x2000;
	[sflag:s15] =	ssyncadd.s32 $0xFFFFE000  }
0x1e: {  	[tilespmem:s20], [sflag:$0x2] =	stream.linear.gather [hbm4b:s9+s3], $0x2000, $0x38;
	[tilespmem:$0x1C000] =	vst v63  }
0x1f: {  	_ =	swait.ge [sflag:s15], $0x2000  }
0x20: {  	[sflag:s15] =	ssyncset.done $0x0  }
0x21: {  	[sflag:s15] =	ssyncadd.s32 $0xFFFFE000  }
0x22: {  	[tilespmem:s17], [sflag:$0x1] =	stream.indirect.gather [hbm4b:s4+s16], $0x80, s3, s16, $0xb8;
	[tilespmem:$0x1C000] =	vst v63  }
0x23: {  	p0 =	sne.s32 s7, $0x1;
	_ =	swait.ge [sflag:s18], $0x4000  }
.Ltmp0:
0x24: {  	[sflag:s18] =	ssyncset.done $0x0;
	(pc) =	sbr.rel @!p0 .LBB2_3-.Ltmp0, $4  }
0x25: {  	[sflag:s18] =	ssyncadd.s32 $0xFFFFC000  }
0x26: {  	[spmem:s2] =	stream.indirect.scatter.add.f32 [tilespmem:s17], [sflag:$0x2], $0x80, s20, s16, $0xb8;
	[tilespmem:$0x1C000] =	vst v63  }
0x27: {  	s21 =	sadd.s32 $0xFFFFFFFF, s7;
	_ =	swait.ge [sflag:s15], $0x4000  }
0x28: {  	s22 =	simm.s32 $0x0;
	s23 =	simm.s32 $0x2000;
	[sflag:s15] =	ssyncset.done $0x0  }
.LBB2_2:
0x29: {  	[sflag:s15] =	ssyncadd.s32 $0xFFFFC000;
	s22 =	sadd.s32 $0x80, s22;
	s23 =	sadd.s32 $0x80, s23  }
0x2a: {  	[tilespmem:s17], [sflag:$0x1] =	stream.indirect.gather [hbm4b:s4+s16], $0x80, s22, s16, $0xb8;
	[tilespmem:$0x1C000] =	vst v63  }
0x2b: {  	p1 =	sne.s32 s21, $0x1;
	s21 =	sadd.s32 $0xFFFFFFFF, s21;
	_ =	swait.ge [sflag:s18], $0x4000  }
.Ltmp1:
0x2c: {  	[sflag:s18] =	ssyncset.done $0x0;
	(pc) =	sbr.rel @p1 .LBB2_2-.Ltmp1, $4  }
0x2d: {  	[sflag:s18] =	ssyncadd.s32 $0xFFFFC000  }
0x2e: {  	[spmem:s2] =	stream.indirect.scatter.add.f32 [tilespmem:s17], [sflag:$0x2], $0x80, s23, s16, $0xb8;
	[tilespmem:$0x1C000] =	vst v63  }
0x2f: {  	_ =	swait.ge [sflag:s15], $0x4000  }
0x30: {  	[sflag:s15] =	ssyncset.done $0x0  }
.LBB2_3:
0x31: {  	[sflag:s15] =	ssyncadd.s32 $0xFFFFC000;
	s21 =	simm.s32 $0x0  }
0x32: {  	[tilespmem:s21], [sflag:$0x2] =	stream.linear.gather [hbm4b:s10+s21], $0x2000, $0x38;
	[tilespmem:$0x1C000] =	vst v63  }
0x33: {  	_ =	swait.ge [sflag:s15], $0x2000  }
0x34: {  	[sflag:s15] =	ssyncset.done $0x0  }
0x35: {  	[sflag:s15] =	ssyncadd.s32 $0xFFFFE000  }
0x36: {  	[tilespmem:s20], [sflag:$0x2] =	stream.linear.gather [hbm4b:s11+s21], $0x2000, $0x38;
	[tilespmem:$0x1C000] =	vst v63  }
0x37: {  	_ =	swait.ge [sflag:s15], $0x2000  }
0x38: {  	[sflag:s15] =	ssyncset.done $0x0  }
0x39: {  	[sflag:s15] =	ssyncadd.s32 $0xFFFFE000  }
0x3a: {  	[tilespmem:s17], [sflag:$0x1] =	stream.indirect.gather [hbm4b:s4+s16], $0x80, s21, s16, $0xb8;
	[tilespmem:$0x1C000] =	vst v63  }
0x3b: {  	_ =	swait.ge [sflag:s18], $0x4000  }
.Ltmp2:
0x3c: {  	[sflag:s18] =	ssyncset.done $0x0;
	(pc) =	sbr.rel @!p0 .LBB2_5-.Ltmp2, $4  }
0x3d: {  	[sflag:s18] =	ssyncadd.s32 $0xFFFFC000  }
0x3e: {  	[spmem:s2] =	stream.indirect.scatter.add.f32 [tilespmem:s17], [sflag:$0x2], $0x80, s20, s16, $0xb8;
	[tilespmem:$0x1C000] =	vst v63  }
0x3f: {  	_ =	swait.ge [sflag:s15], $0x4000  }
0x40: {  	s22 =	sadd.s32 $0xFFFFFFFF, s7;
	[sflag:s15] =	ssyncset.done $0x0  }
.LBB2_4:
0x41: {  	[sflag:s15] =	ssyncadd.s32 $0xFFFFC000;
	s21 =	sadd.s32 $0x80, s21;
	s20 =	sadd.s32 $0x80, s20  }
0x42: {  	[tilespmem:s17], [sflag:$0x1] =	stream.indirect.gather [hbm4b:s4+s16], $0x80, s21, s16, $0xb8;
	[tilespmem:$0x1C000] =	vst v63  }
0x43: {  	p0 =	sne.s32 s22, $0x1;
	s22 =	sadd.s32 $0xFFFFFFFF, s22;
	_ =	swait.ge [sflag:s18], $0x4000  }
.Ltmp3:
0x44: {  	[sflag:s18] =	ssyncset.done $0x0;
	(pc) =	sbr.rel @p0 .LBB2_4-.Ltmp3, $4  }
0x45: {  	[sflag:s18] =	ssyncadd.s32 $0xFFFFC000  }
0x46: {  	[spmem:s2] =	stream.indirect.scatter.add.f32 [tilespmem:s17], [sflag:$0x2], $0x80, s20, s16, $0xb8;
	[tilespmem:$0x1C000] =	vst v63  }
0x47: {  	_ =	swait.ge [sflag:s15], $0x4000  }
0x48: {  	[sflag:s15] =	ssyncset.done $0x0  }
.LBB2_5:
0x49: {  	s19 =	sadd.s32 $0x1, s19  }
0x4a: {  	[sflag:s15] =	ssyncadd.s32 $0xFFFFC000;
	p0 =	sne.s32 s19, s13  }
.Ltmp4:
0x4b: {  	[bflag:$0x0] =	sbarrier.arrive $0xFFFF;
	(pc) =	sbr.rel @p0 .LBB2_1-.Ltmp4, $4  }
0x4c: {  	[hbm:s12], [sflag:s6] =	dma.local [spmem:s14], $0x2800  }
0x4d: {  	_ =	swait.ge [sflag:s15], $0x2800  }
0x4e: {  	[sflag:s15] =	ssyncset.done $0x0  }
0x4f: {  	[sflag:s15] =	ssyncadd.s32 $0xFFFFD800  }
0x50: {  	_ =	sfence.sel $0x180000  }
0x51: {  	[bflag:$0x0] =	sbarrier.arrive $0xFFFF  }
0x52: {  	p0 =	sne.s32 s1, $0x0;
	_ =	strace $0x9000004D  }
0x53: {  	s0 =	sadd.s32 @!p0 $0x100000, s0;
	[bflag:$0x2] =	sbarrier.arrive $0xFFFF  }
0x54: {  	[sflag:s0] =	ssyncadd.tile.s32 @!p0 $0x1;
	_ =	shalt  }
.Lfunc_end2:
_tile_overlayer_lowered:
.L_overlay_start_2:
0x55: {  	(tag) =	ssettag $0x2  }
0x56: {  	s0 =	rddreg [dreg:$0x0];
	s2 =	stileid.u32  }
0x57: {  	s1 =	rddreg [dreg:$0x1];
	p0 =	sne.s32 s2, $0x0  }
0x58: {  	s3 =	rddreg [dreg:$0x2];
	[bflag:$0x3] =	sbarrier.arrive $0xFFFF;
	s2 =	simm.s32 @!p0 $0x1C02  }
0x59: {  	[timem:s3], [sflag:s2] =	dma.local @!p0 [hbm:s0], s1  }
0x5a: {  	s0 =	simm.s32 @!p0 $0x2  }
0x5b: {  	_ =	swait.ge @!p0 [sflag:s0], s1  }
0x5c: {  	s1 =	ssub.s32 @!p0 $0x0, s1;
	[sflag:s0] =	ssyncset.done @!p0 $0x0  }
0x5d: {  	[sflag:s0] =	ssyncadd.s32 @!p0 s1  }
0x5e: {  	[bflag:$0x3] =	sbarrier.arrive $0xFFFF  }
0x5f: {  	_ =	shalt  }

// kernel: kernel.9.cloned.1.call-start
scs
__scs_entry_jumppad:
0x0: {  	(pc) =	sbr.rel $0x88, $3  }
0x1: {  	(tag) =	ssettag $0x0;
	lr =	simm.s32 $0x1  }
0x2: {  	[smem:$0x3F9F] =	sst lr;
	_ =	strace $0xD0000000  }
0x3: {  	_ = 	snop  }
0x4: {  	_ = 	snop  }
0x5: {  	_ = 	snop  }
0x6: {  	_ = 	snop  }
0x7: {  	_ = 	snop  }
__scs_overlays_trampoline_lowered:
0x8: {  	[smem:$0x3FAE] =	sst s0  }
0x9: {  	[smem:$0x3FAF] =	sst s1  }
0xa: {  	[smem:$0x3FB0] =	sst s2  }
0xb: {  	[smem:$0x3FB1] =	sst s3  }
0xc: {  	[smem:$0x3FB2] =	sst s4  }
0xd: {  	[smem:$0x3FB3] =	sst s5  }
0xe: {  	[smem:$0x3FB4] =	sst s6  }
0xf: {  	[smem:$0x3FB5] =	sst s7  }
0x10: {  	[smem:$0x3FB6] =	sst s8  }
0x11: {  	[smem:$0x3FB7] =	sst s9;
	s0 =	simm.s32 @!p0 $0x0  }
0x12: {  	s1 =	sld [smem:$0x3F9D];
	s0 =	simm.s32 @p0 $0x1  }
0x13: {  	[smem:$0x3FB8] =	sst s0;
	s0 =	simm.s32 @!p1 $0x0  }
0x14: {  	s2 =	sld [smem:$0x3F9C];
	s0 =	simm.s32 @p1 $0x1  }
0x15: {  	[smem:$0x3FB9] =	sst s0;
	s0 =	simm.s32 @!p2 $0x0  }
0x16: {  	s3 =	sld [smem:$0x3FDB];
	s0 =	simm.s32 @p2 $0x1  }
0x17: {  	s4 =	simm.s32 $0x1BF5;
	[smem:$0x3FBB] =	sst s0  }
0x18: {  	s0 =	sld [smem:$0x3F9E];
	_ =	swait.ge [sflag:s4], $0x0  }
0x19: {  	s7 =	sld [smem:$0x3F9F]  }
0x1a: {  	s8 =	sadd.s32 $0xFFFFE003, lr  }
0x1b: {  	s9 =	sadd.s32 $0xFFFFFEF7, lr;
	s5 =	simm.s32 $0xFFFFFFFF;
	p2 =	slt.u32 s8, $0xFFFFF086  }
0x1c: {  	p1 =	slt.u32 s9, $0xF7A;
	s5 =	simm.s32 @!p2 $0x0  }
0x1d: {  	s5 =	simm.s32 @p1 $0x1;
	p0 =	seq.s32 s7, s2  }
0x1e: {  	s7 =	smul.u32 @!p0 $0xF7A, s2;
	p2 =	seq.s32 @!p0 s5, $0x0  }
0x1f: {  	s9 =	smul.u32 $0xF7A, s1;
	s8 =	simm.s32 @!p0 $0x1BF5;
	p2 =	por !p2, p0  }
0x20: {  	[sflag:s8] =	ssyncset.s32 @!p0 $0xFFFFF086;
	s6 =	sadd.s32 @!p0 s3, s7;
	s7 =	simm.s32 @!p0 $0x108  }
0x21: {  	s3 =	sadd.s32 s3, s9;
	s6 =	sadd.s32 @!p0 $0x88, s6;
	s7 =	simm.s32 @p2 $0x1082  }
0x22: {  	[simem:s7], [sflag:s8] =	dma.local @!p0 [hbm:s6], $0xF7A  }
0x23: {  	s9 =	sor.u32 $0xD0000000, s2;
	s6 =	simm.s32 $0x108;
	_ =	swait.ge @!p0 [sflag:s8], $0x0  }
0x24: {  	s3 =	sadd.s32 $0x88, s3;
	s6 =	simm.s32 @!p1 $0x1082;
	[sflag:s4] =	ssyncset.s32 $0xFFFFF086  }
0x25: {  	[simem:s6], [sflag:s4] =	dma.local [hbm:s3], $0xF7A  }
0x26: {  	[smem:$0x3F9F] =	sst s1;
	(tag) =	ssettag s2;
	_ =	strace s9  }
0x27: {  	s1 =	sld [smem:$0x3FAF]  }
0x28: {  	s2 =	sld [smem:$0x3FB0]  }
0x29: {  	s4 =	sld [smem:$0x3FB2]  }
0x2a: {  	p0 =	seq.s32 s5, $0x0;
	s5 =	sld [smem:$0x3FB3]  }
0x2b: {  	s6 =	sld [smem:$0x3FB4]  }
0x2c: {  	s7 =	sld [smem:$0x3FB5]  }
0x2d: {  	s3 =	simm.s32 $0x108;
	s8 =	sld [smem:$0x3FB6]  }
0x2e: {  	s3 =	simm.s32 @!p0 $0x1082;
	s9 =	sld [smem:$0x3FB7]  }
0x2f: {  	lr =	sadd.s32 s0, s3;
	s0 =	sld [smem:$0x3FAE]  }
0x30: {  	s3 =	sld [smem:$0x3FB1]  }
0x31: {  	[smem:$0x3FBA] =	sst s10  }
0x32: {  	s10 =	sld [smem:$0x3FB8];
	_ =	sdelay $0x3  }
0x33: {  	p0 =	seq.s32 s10, $0x1;
	s10 =	sld [smem:$0x3FBA];
	_ =	sdelay $0x3  }
0x34: {  	[smem:$0x3FBA] =	sst s10  }
0x35: {  	s10 =	sld [smem:$0x3FB9];
	_ =	sdelay $0x3  }
0x36: {  	p1 =	seq.s32 s10, $0x1;
	s10 =	sld [smem:$0x3FBA];
	_ =	sdelay $0x3  }
0x37: {  	[smem:$0x3FBA] =	sst s10  }
0x38: {  	s10 =	sld [smem:$0x3FBB]  }
0x39: {  	_ = 	snop;
	(pc) =	sbr.ind lr, $3  }
0x3a: {  	_ = 	snop  }
0x3b: {  	_ = 	snop  }
0x3c: {  	p2 =	seq.s32 s10, $0x1;
	s10 =	sld [smem:$0x3FBA]  }
0x3d: {  	_ =	shalt  }
0x3e: {  	_ =	shalt  }
0x3f: {  	_ =	shalt  }
0x40: {  	_ =	shalt  }
0x41: {  	_ =	shalt  }
0x42: {  	_ =	shalt  }
0x43: {  	_ =	shalt  }
0x44: {  	_ =	shalt  }
0x45: {  	_ =	shalt  }
0x46: {  	_ =	shalt  }
0x47: {  	_ =	shalt  }
0x48: {  	_ =	shalt  }
0x49: {  	_ =	shalt  }
0x4a: {  	_ =	shalt  }
0x4b: {  	_ =	shalt  }
0x4c: {  	_ =	shalt  }
0x4d: {  	_ =	shalt  }
0x4e: {  	_ =	shalt  }
0x4f: {  	_ =	shalt  }
0x50: {  	_ =	shalt  }
0x51: {  	_ =	shalt  }
0x52: {  	_ =	shalt  }
0x53: {  	_ =	shalt  }
0x54: {  	_ =	shalt  }
0x55: {  	_ =	shalt  }
0x56: {  	_ =	shalt  }
0x57: {  	_ =	shalt  }
0x58: {  	_ =	shalt  }
0x59: {  	_ =	shalt  }
0x5a: {  	_ =	shalt  }
0x5b: {  	_ =	shalt  }
0x5c: {  	_ =	shalt  }
0x5d: {  	_ =	shalt  }
0x5e: {  	_ =	shalt  }
0x5f: {  	_ =	shalt  }
0x60: {  	_ =	shalt  }
0x61: {  	_ =	shalt  }
0x62: {  	_ =	shalt  }
0x63: {  	_ =	shalt  }
0x64: {  	_ =	shalt  }
0x65: {  	_ =	shalt  }
0x66: {  	_ =	shalt  }
0x67: {  	_ =	shalt  }
0x68: {  	_ =	shalt  }
0x69: {  	_ =	shalt  }
0x6a: {  	_ =	shalt  }
0x6b: {  	_ =	shalt  }
0x6c: {  	_ =	shalt  }
0x6d: {  	_ =	shalt  }
0x6e: {  	_ =	shalt  }
0x6f: {  	_ =	shalt  }
0x70: {  	_ =	shalt  }
0x71: {  	_ =	shalt  }
0x72: {  	_ =	shalt  }
0x73: {  	_ =	shalt  }
0x74: {  	_ =	shalt  }
0x75: {  	_ =	shalt  }
0x76: {  	_ =	shalt  }
0x77: {  	_ =	shalt  }
0x78: {  	_ =	shalt  }
0x79: {  	_ =	shalt  }
0x7a: {  	_ =	shalt  }
0x7b: {  	_ =	shalt  }
0x7c: {  	_ =	shalt  }
0x7d: {  	_ =	shalt  }
0x7e: {  	_ =	shalt  }
0x7f: {  	_ =	shalt  }
0x80: {  	_ =	shalt  }
0x81: {  	_ =	shalt  }
0x82: {  	_ =	shalt  }
0x83: {  	_ =	shalt  }
0x84: {  	_ =	shalt  }
0x85: {  	_ =	shalt  }
0x86: {  	_ =	shalt  }
0x87: {  	_ =	shalt  }
.Lfunc_end0:
.L_simem_size_0:
called_computation_lowered:
.L_overlay_start_0:
0x88: {  	s2 =	sld [smem:$0x3FD9]  }
0x89: {  	s3 =	sld [smem:$0x3FFE];
	_ =	sdelay $0x1  }
0x8a: {  	s1 =	srdreg.scid  }
0x8b: {  	s0 =	sand.u32 $0x1, s1  }
0x8c: {  	s16 =	sshll.u32 s0, $0xA;
	s2 =	sadd.s32 s3, s2  }
0x8d: {  	s2 =	sadd.s32 s2, s16  }
0x8e: {  	[smem:$0x3FC6] =	sst s2  }
0x8f: {  	_ = 	snop  }
0x90: {  	(tm) =	ssettm $0x1  }
0x91: {  	s17 =	sld [smem:$0x3FFB];
	_ =	sdelay $0x3  }
0x92: {  	_ =	strace s17  }
0x93: {  	s2 =	sld [smem:$0x3FFC];
	_ =	sdelay $0x3  }
0x94: {  	_ =	strace s2  }
0x95: {  	s2 =	sld [smem:$0x3FFD];
	_ =	sdelay $0x3  }
0x96: {  	_ =	strace s2  }
0x97: {  	_ =	strace $0x8FFFFFFF  }
0x98: {  	s18 =	sld [smem:$0x3FDB];
	_ =	sdelay $0x1  }
0x99: {  	s19 =	simm.s32 $_scs_section_size  }
0x9a: {  	s4 =	simm.s32 $_size__tile_overlayer_lowered;
	s5 =	simm.s32 $_tile_overlayer_lowered  }
0x9b: {  	s22 =	simm.s32 $0x1BFF;
	s21 =	sshll.u32 s5, $0x1;
	s2 =	sadd.s32 s19, s18  }
0x9c: {  	s6 =	simm.s32 $0x0;
	s20 =	sshll.u32 s4, $0x1;
	s4 =	sadd.s32 s21, s2  }
0x9d: {  	[timem:s6], [sflag:s22] =	dma.local [hbm:s4], s20  }
0x9e: {  	_ =	swait.ge [sflag:s22], s20  }
0x9f: {  	s3 =	ssub.s32 $0x0, s20;
	[sflag:s22] =	ssyncset.done $0x0  }
0xa0: {  	[sflag:s22] =	ssyncadd.s32 s3;
	_ =	sdelay $0x1  }
0xa1: {  	s23 =	simm.s32 $0x1B8B  }
0xa2: {  	_ =	swait.ge [sflag:s23], $0x1  }
0xa3: {  	[sflag:s23] =	ssyncset.done $0x0  }
0xa4: {  	s25 =	simm.s32 $0x1B8E;
	s24 =	sld [smem:$0x3FFE];
	[sflag:s23] =	ssyncadd.s32 $0xFFFFFFFF  }
0xa5: {  	s26 =	simm.s32 $execute0_lowered;
	[smem:$0x3FD2] =	sst s25  }
0xa6: {  	s4 =	sshll.u32 s26, $0x1;
	_ =	strace $0x80000046;
	[dreg:$0x1] =	wrdreg $0xFFFFFFFF  }
0xa7: {  	s28 =	simm.s32 $_size_execute0_lowered;
	s2 =	sadd.s32 s2, s4;
	[dreg:$0x0] =	wrdreg $0x0  }
0xa8: {  	s4 =	sshll.u32 s28, $0x1;
	[dreg:$0x2] =	wrdreg s2  }
0xa9: {  	[dreg:$0x3] =	wrdreg s4  }
0xaa: {  	[dreg:$0x4] =	wrdreg $0xC0  }
0xab: {  	_ =	task [dreg:s6], $0x5FFFF  }
0xac: {  	[dreg:$0x1] =	wrdreg $0xFFFFFFFF  }
0xad: {  	[dreg:$0x0] =	wrdreg $0x60  }
0xae: {  	[dreg:$0x2] =	wrdreg s24  }
0xaf: {  	[dreg:$0x3] =	wrdreg $0x28800  }
0xb0: {  	[dreg:$0x4] =	wrdreg $0x9  }
0xb1: {  	_ =	task.clear_ibuf [dreg:s6], $0x5FFFF;
	_ =	strace $0x90000046  }
0xb2: {  	s29 =	simm.s32 $0x9;
	_ =	strace $0x80000048  }
0xb3: {  	_ =	swait.ge [sflag:s29], $0x1  }
0xb4: {  	[sflag:s29] =	ssyncadd.s32 $0xFFFFFFFF  }
0xb5: {  	_ =	strace $0x90000048  }
0xb6: {  	_ =	sfence  }
0xb7: {  	s30 =	sld [smem:$0x0];
	_ =	sdelay $0x2  }
0xb8: {  	s31 =	sshll.u32 s1, $0xD;
	s1 =	sshrl.u32 s1, $0x2  }
0xb9: {  	s3 =	sand.u32 $0x4000, s31;
	s1 =	sadd.s32 s1, s30  }
0xba: {  	s0 =	sor.u32 s3, s0;
	s1 =	sshll.u32 s1, $0x11  }
0xbb: {  	s0 =	sor.u32 s1, s0  }
0xbc: {  	s0 =	sadd.s32 $0x8F2B, s0  }
0xbd: {  	[sflag:s0] =	ssyncadd.remote.s32 $0x1  }
0xbe: {  	_ =	sfence.sel $0xFFFF  }
0xbf: {  	[dreg:$0x0] =	wrdreg $0xFFFFFFFF;
	(pc) =	sbr.abs _section_cstart, $3  }
0xc0: {  	[dreg:$0x1] =	wrdreg $0xFFFFFFFF  }
0xc1: {  	_ =	task.clear_ibuf [dreg:s6], $0x2FFFF;
	_ =	strace $0x9FFFFFFF  }
0xc2: {  	(tm) =	ssettm $0x7FFFFFFF  }
0xc3: {  	_ =	shalt  }
tec
execute0_lowered:
.L_overlay_start_1:
0x0: {  	(tag) =	ssettag $0x1  }
0x1: {  	s5 =	rddreg [dreg:$0x0]  }
0x2: {  	s0 =	srdreg.scid;
	s2 =	rddreg [dreg:$0x1]  }
0x3: {  	s3 =	simm.s32 $0x0;
	s4 =	sand.u32 $0x1, s0;
	s0 =	stileid.u32  }
0x4: {  	s13 =	simm.s32 $0x80;
	s14 =	simm.s32 $0x0;
	s7 =	smul.u32 $0x280, s0  }
0x5: {  	[smem:$0x7FF] =	sst s3;
	s1 =	sshll.u32 s4, $0x4;
	s8 =	smul.u32 $0x2800, s4  }
0x6: {  	s10 =	ssub.s32 $0x2, s4;
	s4 =	sadd.s32 $0xB400, s5;
	s1 =	sor.u32 s0, s1  }
0x7: {  	s31 =	sshll.u32 s0, $0x6;
	s11 =	sshrl.u32 s10, $0x1;
	s6 =	smul.u32 $0x500, s1  }
0x8: {  	s1 =	rddreg [dreg:$0x2];
	_ =	strace $0x80000047;
	s9 =	sshrl.u32 s7, $0x3  }
0x9: {  	s8 =	sadd.s32 s7, s8;
	s10 =	ssub.s32 s10, s11;
	s12 =	sadd.s32 s7, s2  }
0xa: {  	s11 =	sor.u32 $0x1C01, s31;
	s9 =	sadd.s32 s9, s5;
	s8 =	sshrl.u32 s8, $0x3  }
0xb: {  	s12 =	sshrl.u32 s12, $0x3;
	s6 =	sadd.s32 s6, s5;
	s8 =	sadd.s32 s8, s5  }
0xc: {  	s5 =	sadd.s32 $0x1400, s6;
	s6 =	sadd.s32 $0xB600, s9;
	s7 =	sadd.s32 $0xBC00, s8  }
0xd: {  	s8 =	smax.u32 s10, $0x1;
	s9 =	simm.s32 $0x1;
	s10 =	simm.s32 $0x2800  }
.LBB2_1:
0xe: {  	[tilespmem:s3], [sflag:$0x1] =	stream.linear.gather [hbm4b:s5+s3], $0x2780, $0x38;
	[tilespmem:$0x2B00] =	vst v63  }
0xf: {  	_ =	swait.ge [sflag:s9], $0x2780  }
0x10: {  	[sflag:s9] =	ssyncset.done $0x0  }
0x11: {  	[sflag:s9] =	ssyncadd.s32 $0xFFFFD880  }
0x12: {  	[tilespmem:s10], [sflag:$0x1] =	stream.linear.gather [hbm4b:s4+s3], $0x80, $0x38;
	[tilespmem:$0x2B00] =	vst v63  }
0x13: {  	_ =	swait.ge [sflag:s9], $0x80  }
0x14: {  	[sflag:s9] =	ssyncset.done $0x0  }
0x15: {  	[sflag:s9] =	ssyncadd.s32 $0xFFFFFF80  }
0x16: {  	[spmem:s12], [sflag:s11] =	dma.local [hbm:s6], $0x50  }
0x17: {  	_ =	swait.ge [sflag:s9], $0x50  }
0x18: {  	[sflag:s9] =	ssyncset.done $0x0  }
0x19: {  	[sflag:s9] =	ssyncadd.s32 $0xFFFFFFB0  }
0x1a: {  	s15 =	simm.s32 $0x0;
	[bflag:$0x0] =	sbarrier.arrive $0xFFFF  }
0x1b: {  	[spmem:s2] =	stream.indirect.scatter.add.f32 [tilespmem:s10], [sflag:$0x1], $0x1, s15, s13, $0xb8;
	[tilespmem:$0x2B00] =	vst v63  }
0x1c: {  	_ =	swait.ge [sflag:s9], $0x80  }
0x1d: {  	s15 =	simm.s32 $0x200;
	[sflag:s9] =	ssyncset.done $0x0  }
.LBB2_2:
0x1e: {  	s16 =	sshra.s32 s15, $0x2;
	[sflag:s9] =	ssyncadd.s32 $0xFFFFFF80;
	p0 =	sne.s32 s15, $0x9C00  }
0x1f: {  	[spmem:s2] =	stream.indirect.scatter.add.f32 [tilespmem:s10], [sflag:$0x1], $0x1, s16, s13, $0xb8;
	[tilespmem:$0x2B00] =	vst v63  }
.Ltmp0:
0x20: {  	_ = 	snop;
	(pc) =	sbr.rel @p0 .LBB2_2-.Ltmp0, $4  }
0x21: {  	_ = 	snop  }
0x22: {  	s15 =	sadd.s32 $0x200, s15  }
0x23: {  	_ =	swait.ge [sflag:s9], $0x80  }
0x24: {  	[sflag:s9] =	ssyncset.done $0x0  }
0x25: {  	s14 =	sadd.s32 $0x1, s14  }
0x26: {  	[sflag:s9] =	ssyncadd.s32 $0xFFFFFF80;
	p0 =	sne.s32 s14, s8  }
.Ltmp1:
0x27: {  	[bflag:$0x0] =	sbarrier.arrive $0xFFFF;
	(pc) =	sbr.rel @p0 .LBB2_1-.Ltmp1, $4  }
0x28: {  	[hbm:s7], [sflag:s11] =	dma.local [spmem:s12], $0x50  }
0x29: {  	_ =	swait.ge [sflag:s9], $0x50  }
0x2a: {  	[sflag:s9] =	ssyncset.done $0x0  }
0x2b: {  	[sflag:s9] =	ssyncadd.s32 $0xFFFFFFB0  }
0x2c: {  	_ =	sfence.sel $0x180000  }
0x2d: {  	[bflag:$0x0] =	sbarrier.arrive $0xFFFF  }
0x2e: {  	p0 =	sne.s32 s0, $0x0;
	_ =	strace $0x90000047  }
0x2f: {  	s0 =	sadd.s32 @!p0 $0x100000, s1;
	[bflag:$0x2] =	sbarrier.arrive $0xFFFF  }
0x30: {  	[sflag:s0] =	ssyncadd.tile.s32 @!p0 $0x1;
	_ =	shalt  }
.Lfunc_end2:
_tile_overlayer_lowered:
.L_overlay_start_2:
0x31: {  	(tag) =	ssettag $0x2  }
0x32: {  	s0 =	rddreg [dreg:$0x0];
	s2 =	stileid.u32  }
0x33: {  	s1 =	rddreg [dreg:$0x1];
	p0 =	sne.s32 s2, $0x0  }
0x34: {  	s3 =	rddreg [dreg:$0x2];
	[bflag:$0x3] =	sbarrier.arrive $0xFFFF;
	s2 =	simm.s32 @!p0 $0x1C01  }
0x35: {  	[timem:s3], [sflag:s2] =	dma.local @!p0 [hbm:s0], s1  }
0x36: {  	s0 =	simm.s32 @!p0 $0x1  }
0x37: {  	_ =	swait.ge @!p0 [sflag:s0], s1  }
0x38: {  	s1 =	ssub.s32 @!p0 $0x0, s1;
	[sflag:s0] =	ssyncset.done @!p0 $0x0  }
0x39: {  	[sflag:s0] =	ssyncadd.s32 @!p0 s1  }
0x3a: {  	[bflag:$0x3] =	sbarrier.arrive $0xFFFF  }
0x3b: {  	_ =	shalt  }

</sc_bundles>
